<compile_context>
chip_gen: v7x
topology: tpu7x:2x2x1
jax: 0.10.2.dev20260603
libtpu: 0.0.44.dev20260713+nightly
codegen_flags: <defaults>
</compile_context>

<pallas_src>
import functools

import jax
import jax.numpy as jnp
import numpy as np
from jax import lax
from jax.experimental import pallas as pl
from jax.experimental.pallas import tpu as pltpu
from jax.experimental.pallas import tpu_sc as plsc

VOCAB = 1000000
EMBED = 16
B = 16384
L = 200
N_IDX = B * L
N_ELEM = N_IDX * EMBED


_ROTS = ((13, 15, 26, 6), (17, 29, 16, 24))


def _np_threefry2x32(k0, k1, x0, x1):
    m = 0xFFFFFFFF
    ks = (k0 & m, k1 & m, (k0 ^ k1 ^ 0x1BD11BDA) & m)
    x0 = (x0 + ks[0]) & m
    x1 = (x1 + ks[1]) & m
    for i in range(5):
        for r in _ROTS[i % 2]:
            x0 = (x0 + x1) & m
            x1 = ((x1 << r) | (x1 >> (32 - r))) & m
            x1 = x1 ^ x0
        x0 = (x0 + ks[(i + 1) % 3]) & m
        x1 = (x1 + ks[(i + 2) % 3] + i + 1) & m
    return x0, x1


def _np_fold_in(k0, k1, data):
    return _np_threefry2x32(k0, k1, (data >> 32) & 0xFFFFFFFF,
                            data & 0xFFFFFFFF)


_K0, _K1 = _np_fold_in(0, 0, 12345)


_NC = 2
_NS = 16
_NW = _NC * _NS

_XCOLS = 128
_XROWS = N_IDX // _XCOLS
_ROWS_PER_W = _XROWS // _NW
_CHUNK = 25
_NCHUNK = _ROWS_PER_W // _CHUNK


def _sc_gather(x1_hbm, table_hbm, out_hbm, idx_v, rows_v, sem):
    wid = lax.axis_index("s") * _NC + lax.axis_index("c")
    w_base = wid * _ROWS_PER_W

    def chunk_body(c, _):
        i0 = (w_base + c * _CHUNK) * _XCOLS
        pltpu.sync_copy(x1_hbm.at[pl.ds(i0, _CHUNK * _XCOLS)], idx_v)

        def fire(j, _):
            pltpu.async_copy(table_hbm.at[idx_v.at[pl.ds(j * _XCOLS, _XCOLS)]],
                             rows_v.at[pl.ds(j * _XCOLS, _XCOLS)], sem)
            return _

        lax.fori_loop(0, _CHUNK, fire, None)

        def drain(j, _):
            pltpu.make_async_copy(table_hbm.at[idx_v.at[pl.ds(0, _XCOLS)]],
                                  rows_v.at[pl.ds(0, _XCOLS)], sem).wait()
            return _

        lax.fori_loop(0, _CHUNK, drain, None)
        pltpu.sync_copy(rows_v, out_hbm.at[pl.ds(i0, _CHUNK * _XCOLS)])
        return _

    lax.fori_loop(0, _NCHUNK, chunk_body, None)


@functools.cache
def _sc_gather_call():
    return pl.kernel(
        _sc_gather,
        out_type=jax.ShapeDtypeStruct((N_IDX, EMBED), jnp.float32),
        mesh=plsc.VectorSubcoreMesh(core_axis_name="c", subcore_axis_name="s",
                                    num_cores=_NC, num_subcores=_NS),
        scratch_types=[
            pltpu.VMEM((_CHUNK * _XCOLS,), jnp.int32),
            pltpu.VMEM((_CHUNK * _XCOLS, EMBED), jnp.float32),
            pltpu.SemaphoreType.DMA,
        ],
        compiler_params=pltpu.CompilerParams(use_tc_tiling_on_sc=False,
                                             skip_device_barrier=True),
    )


_COLS = L * EMBED
_RB = 128
_LO = np.float32(np.nextafter(np.float32(-1.0), np.float32(0.0)))
_SCALE = np.float32(0.1 * np.sqrt(2.0))

_QPOLY = tuple(np.float32(c * 0.1) for c in (
    -0.0011786685790866613, 0.015818433836102486, -0.07585867494344711,
    0.14640192687511444, -0.10946287959814072, 0.3720836937427521,
    -0.00709370756521821, 1.253585934638977))


def _threefry_bits(cnt):
    k0 = jnp.uint32(_K0)
    k1 = jnp.uint32(_K1)
    ks2 = jnp.uint32(_K0 ^ _K1 ^ 0x1BD11BDA)
    ks = (k0, k1, ks2)
    x0 = jnp.full(cnt.shape, k0, jnp.uint32)
    x1 = cnt + k1
    for i in range(5):
        for r in _ROTS[i % 2]:
            x0 = x0 + x1
            x1 = (x1 << np.uint32(r)) | (x1 >> np.uint32(32 - r))
            x1 = x1 ^ x0
        x0 = x0 + ks[(i + 1) % 3]
        x1 = x1 + ks[(i + 2) % 3] + jnp.uint32(i + 1)
    return x0 ^ x1


def _horner(t, coeffs):
    acc = jnp.full(t.shape, np.float32(coeffs[0]), jnp.float32)
    for c in coeffs[1:]:
        acc = acc * t + np.float32(c)
    return acc


def _noise(cnt):
    bits = _threefry_bits(cnt)
    fb = (bits >> jnp.uint32(9)) | jnp.uint32(0x3F800000)
    f = lax.bitcast_convert_type(fb, jnp.float32) - np.float32(1.0)
    u = jnp.maximum(_LO, f * (np.float32(1.0) - _LO) + _LO)
    s = jnp.sqrt(-jnp.log1p(-u * u))
    return u * _horner(s, _QPOLY)




def _noise_body(out_ref):
    i = pl.program_id(0)
    base = i * (_RB * _COLS)
    row = lax.broadcasted_iota(jnp.int32, (_RB, _COLS), 0)
    col = lax.broadcasted_iota(jnp.int32, (_RB, _COLS), 1)
    cnt = (base + row * _COLS + col).astype(jnp.uint32)
    out_ref[...] = _noise(cnt)


_noise_call = pl.pallas_call(
    _noise_body,
    grid=(B // _RB,),
    out_specs=pl.BlockSpec((_RB, _COLS), lambda i: (i, 0)),
    out_shape=jax.ShapeDtypeStruct((B, _COLS), jnp.float32),
)


def _add_body(emb_ref, noise_ref, out_ref):
    out_ref[...] = jnp.clip(emb_ref[...] + noise_ref[...],
                            np.float32(-1.0), np.float32(1.0))


_add_call = pl.pallas_call(
    _add_body,
    grid=(B // _RB,),
    in_specs=[pl.BlockSpec((_RB, _COLS), lambda i: (i, 0)),
              pl.BlockSpec((_RB, _COLS), lambda i: (i, 0))],
    out_specs=pl.BlockSpec((_RB, _COLS), lambda i: (i, 0)),
    out_shape=jax.ShapeDtypeStruct((B, _COLS), jnp.float32),
)


def kernel(x, table):
    x1 = jnp.asarray(x, jnp.int32).reshape(-1)
    gathered = _sc_gather_call()(x1, table)
    noise = _noise_call()
    emb = gathered.reshape(B, _COLS)
    out = _add_call(emb, noise)
    return out.reshape(B, L, EMBED)

# --- scband reference (transcript-rebuilt; emitter-appended) ---
"""Pipeline reference for scband-custom-embedding-20486994002389 (READ-ONLY COPY).

The authoritative reference and input builder live on the scoring server;
editing this copy changes nothing except your own understanding.
"""

import jax, jax.numpy as jnp
import numpy as np

VOCAB = 1000000
EMBED = 16
B = 16384
L = 200

def setup_inputs(seed: int = 0) -> dict:
    key = jax.random.key(seed)
    k1, k2 = jax.random.split(key)
    x = jax.random.randint(k1, (B, L), 0, VOCAB, dtype=jnp.int64 if jax.config.jax_enable_x64 else jnp.int32)
    table = jax.random.normal(k2, (VOCAB, EMBED), dtype=jnp.float32) * 0.02
    return {"x": x, "table": table}

def reference(x, table):
    # embeds = self.embedding(x)
    embeds = jnp.take(table, x, axis=0)
    # noise = Normal(0, 0.1).sample(embeds.shape)
    nkey = jax.random.fold_in(jax.random.key(0), 12345)
    noise = jax.random.normal(nkey, embeds.shape, dtype=embeds.dtype) * 0.1
    # torch.clamp(embeds + noise, -1, 1)
    return jnp.clip(embeds + noise, -1.0, 1.0)

if __name__ == "__main__":
    import jax
    _d = setup_inputs()
    print(jax.jit(kernel)(*tuple(_d.values())))

</pallas_src>

<mosaic_0001>
#map = affine_map<(d0, d1) -> (0)>
#map1 = affine_map<(d0, d1) -> (0, 0)>
module attributes {stable_mosaic.version = 14 : i64} {
  func.func @_sc_gather(%arg0: i32, %arg1: i32, %arg2: memref<3276800xi32, #tpu.memory_space<hbm>>, %arg3: memref<1000000x16xf32, #tpu.memory_space<hbm>>, %arg4: memref<3276800x16xf32, #tpu.memory_space<hbm>>, %arg5: memref<3200xi32, #tpu.memory_space<vmem>>, %arg6: memref<3200x16xf32, #tpu.memory_space<vmem>>, %arg7: memref<!tpu.dma_semaphore, #tpu.memory_space<semaphore_mem>>) attributes {dimension_semantics = [#tpu.dimension_semantics<core_parallel>, #tpu.dimension_semantics<subcore_parallel>], iteration_bounds = array<i64: 2, 16>, scalar_prefetch = 0 : i64, scratch_operands = 3 : i64, tpu.core_type = #tpu.core_type<sc_vector_subcore>, window_params = [{transform_indices = #map}, {transform_indices = #map1}, {transform_indices = #map1}]} {
    %mul3A = arith.constant 2 : i32
    %mul3A_0 = arith.muli %arg1, %mul3A : i32
    %add3A = arith.addi %mul3A_0, %arg0 : i32
    %mul3A_1 = arith.constant 800 : i32
    %mul3A_2 = arith.muli %add3A, %mul3A_1 : i32
    %scan3A = arith.constant 0 : i32
    %scan3A_3 = arith.constant 32 : i32
    %scan3A_4 = arith.addi %scan3A, %scan3A_3 : i32
    %scan3A_5 = arith.constant 1 : i32
    scf.for %scan3A_7 = %scan3A to %scan3A_4 step %scan3A_5  : i32 {
      %mul3A_8 = arith.constant 25 : i32
      %mul3A_9 = arith.muli %scan3A_7, %mul3A_8 : i32
      %add3A_10 = arith.addi %mul3A_2, %mul3A_9 : i32
      %mul3A_11 = arith.constant 128 : i32
      %mul3A_12 = arith.muli %add3A_10, %mul3A_11 : i32
      "tpu.region"() ({
        %run_scoped3A = tpu.sem_alloc : memref<!tpu.dma_semaphore, #tpu.memory_space<semaphore_mem>>
        %dma_start3A = tpu.memref_slice %arg2[%mul3A_12] : memref<3276800xi32, #tpu.memory_space<hbm>> -> memref<3200xi32, #tpu.memory_space<hbm>>
        %dma_start3A_23 = tpu.memref_slice %arg2[%mul3A_12] : memref<3276800xi32, #tpu.memory_space<hbm>> -> memref<3200xi32, #tpu.memory_space<hbm>>
        tpu.enqueue_dma source(%dma_start3A_23 : memref<3200xi32, #tpu.memory_space<hbm>>) target(%arg5 : memref<3200xi32, #tpu.memory_space<vmem>>) target_semaphore(%run_scoped3A : memref<!tpu.dma_semaphore, #tpu.memory_space<semaphore_mem>>)
        %dma_wait3A = tpu.memref_slice %arg2[%mul3A_12] : memref<3276800xi32, #tpu.memory_space<hbm>> -> memref<3200xi32, #tpu.memory_space<hbm>>
        %dma_wait3A_24 = tpu.memref_slice %arg2[%mul3A_12] : memref<3276800xi32, #tpu.memory_space<hbm>> -> memref<3200xi32, #tpu.memory_space<hbm>>
        tpu.wait_dma2 semaphore(%run_scoped3A : memref<!tpu.dma_semaphore, #tpu.memory_space<semaphore_mem>>) src(%dma_wait3A_24 : memref<3200xi32, #tpu.memory_space<hbm>>) dst(%arg5 : memref<3200xi32, #tpu.memory_space<vmem>>)
        tpu.yield
      }) : () -> ()
      %scan3A_13 = arith.constant 0 : i32
      %scan3A_14 = arith.constant 25 : i32
      %scan3A_15 = arith.addi %scan3A_13, %scan3A_14 : i32
      %scan3A_16 = arith.constant 1 : i32
      scf.for %scan3A_23 = %scan3A_13 to %scan3A_15 step %scan3A_16  : i32 {
        %mul3A_24 = arith.constant 128 : i32
        %mul3A_25 = arith.muli %scan3A_23, %mul3A_24 : i32
        %mul3A_26 = arith.constant 128 : i32
        %mul3A_27 = arith.muli %scan3A_23, %mul3A_26 : i32
        %dma_start3A = arith.constant 0 : i32
        %dma_start3A_28 = tpu.memref_slice %arg6[%mul3A_27, %dma_start3A] : memref<3200x16xf32, #tpu.memory_space<vmem>> -> memref<128x16xf32, #tpu.memory_space<vmem>>
        %dma_start3A_29 = tpu.memref_slice %arg5[%mul3A_25] : memref<3200xi32, #tpu.memory_space<vmem>> -> memref<128xi32, #tpu.memory_space<vmem>>
        %dma_start3A_30 = arith.constant 0 : i32
        %dma_start3A_31 = arith.constant 0 : i32
        %dma_start3A_32 = tpu.memref_slice %arg3[%dma_start3A_30, %dma_start3A_31] : memref<1000000x16xf32, #tpu.memory_space<hbm>> -> memref<1000000x16xf32, #tpu.memory_space<hbm>>
        tpu.enqueue_indirect_dma source(%dma_start3A_32 : memref<1000000x16xf32, #tpu.memory_space<hbm>>) target(%dma_start3A_28 : memref<128x16xf32, #tpu.memory_space<vmem>>) offsets(%dma_start3A_29 : memref<128xi32, #tpu.memory_space<vmem>>) semaphore(%arg7 : memref<!tpu.dma_semaphore, #tpu.memory_space<semaphore_mem>>)
      }
      %scan3A_17 = arith.constant 25 : i32
      %scan3A_18 = arith.constant 0 : i32
      %scan3A_19 = arith.constant 25 : i32
      %scan3A_20 = arith.addi %scan3A_18, %scan3A_19 : i32
      %scan3A_21 = arith.constant 1 : i32
      scf.for %scan3A_23 = %scan3A_18 to %scan3A_20 step %scan3A_21  : i32 {
        %dma_wait3A = arith.constant 0 : i32
        %dma_wait3A_24 = arith.constant 0 : i32
        %dma_wait3A_25 = tpu.memref_slice %arg6[%dma_wait3A, %dma_wait3A_24] : memref<3200x16xf32, #tpu.memory_space<vmem>> -> memref<128x16xf32, #tpu.memory_space<vmem>>
        %dma_wait3A_26 = arith.constant 0 : i32
        %dma_wait3A_27 = tpu.memref_slice %arg5[%dma_wait3A_26] : memref<3200xi32, #tpu.memory_space<vmem>> -> memref<128xi32, #tpu.memory_space<vmem>>
        %dma_wait3A_28 = arith.constant 0 : i32
        %dma_wait3A_29 = arith.constant 0 : i32
        %dma_wait3A_30 = tpu.memref_slice %arg3[%dma_wait3A_28, %dma_wait3A_29] : memref<1000000x16xf32, #tpu.memory_space<hbm>> -> memref<1000000x16xf32, #tpu.memory_space<hbm>>
        tpu.wait_indirect_dma semaphore(%arg7 : memref<!tpu.dma_semaphore, #tpu.memory_space<semaphore_mem>>) src(%dma_wait3A_30 : memref<1000000x16xf32, #tpu.memory_space<hbm>>) dst(%dma_wait3A_25 : memref<128x16xf32, #tpu.memory_space<vmem>>)
      }
      %scan3A_22 = arith.constant 25 : i32
      "tpu.region"() ({
        %run_scoped3A = tpu.sem_alloc : memref<!tpu.dma_semaphore, #tpu.memory_space<semaphore_mem>>
        %dma_start3A = arith.constant 0 : i32
        %dma_start3A_23 = tpu.memref_slice %arg4[%mul3A_12, %dma_start3A] : memref<3276800x16xf32, #tpu.memory_space<hbm>> -> memref<3200x16xf32, #tpu.memory_space<hbm>>
        %dma_start3A_24 = arith.constant 0 : i32
        %dma_start3A_25 = tpu.memref_slice %arg4[%mul3A_12, %dma_start3A_24] : memref<3276800x16xf32, #tpu.memory_space<hbm>> -> memref<3200x16xf32, #tpu.memory_space<hbm>>
        tpu.enqueue_dma source(%arg6 : memref<3200x16xf32, #tpu.memory_space<vmem>>) target(%dma_start3A_25 : memref<3200x16xf32, #tpu.memory_space<hbm>>) target_semaphore(%run_scoped3A : memref<!tpu.dma_semaphore, #tpu.memory_space<semaphore_mem>>)
        %dma_wait3A = arith.constant 0 : i32
        %dma_wait3A_26 = tpu.memref_slice %arg4[%mul3A_12, %dma_wait3A] : memref<3276800x16xf32, #tpu.memory_space<hbm>> -> memref<3200x16xf32, #tpu.memory_space<hbm>>
        %dma_wait3A_27 = arith.constant 0 : i32
        %dma_wait3A_28 = tpu.memref_slice %arg4[%mul3A_12, %dma_wait3A_27] : memref<3276800x16xf32, #tpu.memory_space<hbm>> -> memref<3200x16xf32, #tpu.memory_space<hbm>>
        tpu.wait_dma2 semaphore(%run_scoped3A : memref<!tpu.dma_semaphore, #tpu.memory_space<semaphore_mem>>) src(%arg6 : memref<3200x16xf32, #tpu.memory_space<vmem>>) dst(%dma_wait3A_28 : memref<3200x16xf32, #tpu.memory_space<hbm>>)
        tpu.yield
      }) : () -> ()
    }
    %scan3A_6 = arith.constant 32 : i32
    return
  }
}

module attributes {stable_mosaic.version = 14 : i64} {
  func.func @_noise_body(%arg0: i32, %arg1: memref<128x3200xf32, #tpu.memory_space<vmem>>) attributes {dimension_semantics = [#tpu.dimension_semantics<arbitrary>], iteration_bounds = array<i64: 128>, scalar_prefetch = 0 : i64, scratch_operands = 0 : i64, tpu.core_type = #tpu.core_type<tc>, window_params = [{transform_indices = @transform_0, window_bounds = array<i64: 128, 3200>}]} {
    %mul3A = arith.constant 409600 : i32
    %mul3A_0 = arith.muli %arg0, %mul3A : i32
    %iota3A = tpu.iota {dimensions = array<i32: 0>} : vector<128x3200xi32>
    %iota3A_1 = tpu.iota {dimensions = array<i32: 1>} : vector<128x3200xi32>
    %mul3A_2 = arith.constant 3200 : i32
    %mul3A_3 = vector.broadcast %mul3A_2 : i32 to vector<128x3200xi32>
    %mul3A_4 = arith.muli %iota3A, %mul3A_3 : vector<128x3200xi32>
    %add3A = vector.broadcast %mul3A_0 : i32 to vector<128x3200xi32>
    %add3A_5 = arith.addi %add3A, %mul3A_4 : vector<128x3200xi32>
    %add3A_6 = arith.addi %add3A_5, %iota3A_1 : vector<128x3200xi32>
    %broadcast_in_dim3A = arith.constant 908003072 : i32
    %broadcast_in_dim3A_7 = vector.broadcast %broadcast_in_dim3A : i32 to vector<128x3200xi32>
    %add3A_8 = arith.constant -1042067111 : i32
    %add3A_9 = vector.broadcast %add3A_8 : i32 to vector<128x3200xi32>
    %add3A_10 = arith.addi %add3A_6, %add3A_9 : vector<128x3200xi32>
    %add3A_11 = arith.addi %broadcast_in_dim3A_7, %add3A_10 : vector<128x3200xi32>
    %shift_left3A = arith.constant 13 : i32
    %shift_left3A_12 = vector.broadcast %shift_left3A : i32 to vector<128x3200xi32>
    %shift_left3A_13 = arith.shli %add3A_10, %shift_left3A_12 : vector<128x3200xi32>
    %shift_right_logical3A = arith.constant 19 : i32
    %shift_right_logical3A_14 = vector.broadcast %shift_right_logical3A : i32 to vector<128x3200xi32>
    %shift_right_logical3A_15 = arith.shrui %add3A_10, %shift_right_logical3A_14 : vector<128x3200xi32>
    %or3A = arith.ori %shift_left3A_13, %shift_right_logical3A_15 : vector<128x3200xi32>
    %xor3A = arith.xori %or3A, %add3A_11 : vector<128x3200xi32>
    %add3A_16 = arith.addi %add3A_11, %xor3A : vector<128x3200xi32>
    %shift_left3A_17 = arith.constant 15 : i32
    %shift_left3A_18 = vector.broadcast %shift_left3A_17 : i32 to vector<128x3200xi32>
    %shift_left3A_19 = arith.shli %xor3A, %shift_left3A_18 : vector<128x3200xi32>
    %shift_right_logical3A_20 = arith.constant 17 : i32
    %shift_right_logical3A_21 = vector.broadcast %shift_right_logical3A_20 : i32 to vector<128x3200xi32>
    %shift_right_logical3A_22 = arith.shrui %xor3A, %shift_right_logical3A_21 : vector<128x3200xi32>
    %or3A_23 = arith.ori %shift_left3A_19, %shift_right_logical3A_22 : vector<128x3200xi32>
    %xor3A_24 = arith.xori %or3A_23, %add3A_16 : vector<128x3200xi32>
    %add3A_25 = arith.addi %add3A_16, %xor3A_24 : vector<128x3200xi32>
    %shift_left3A_26 = arith.constant 26 : i32
    %shift_left3A_27 = vector.broadcast %shift_left3A_26 : i32 to vector<128x3200xi32>
    %shift_left3A_28 = arith.shli %xor3A_24, %shift_left3A_27 : vector<128x3200xi32>
    %shift_right_logical3A_29 = arith.constant 6 : i32
    %shift_right_logical3A_30 = vector.broadcast %shift_right_logical3A_29 : i32 to vector<128x3200xi32>
    %shift_right_logical3A_31 = arith.shrui %xor3A_24, %shift_right_logical3A_30 : vector<128x3200xi32>
    %or3A_32 = arith.ori %shift_left3A_28, %shift_right_logical3A_31 : vector<128x3200xi32>
    %xor3A_33 = arith.xori %or3A_32, %add3A_25 : vector<128x3200xi32>
    %add3A_34 = arith.addi %add3A_25, %xor3A_33 : vector<128x3200xi32>
    %shift_left3A_35 = arith.constant 6 : i32
    %shift_left3A_36 = vector.broadcast %shift_left3A_35 : i32 to vector<128x3200xi32>
    %shift_left3A_37 = arith.shli %xor3A_33, %shift_left3A_36 : vector<128x3200xi32>
    %shift_right_logical3A_38 = arith.constant 26 : i32
    %shift_right_logical3A_39 = vector.broadcast %shift_right_logical3A_38 : i32 to vector<128x3200xi32>
    %shift_right_logical3A_40 = arith.shrui %xor3A_33, %shift_right_logical3A_39 : vector<128x3200xi32>
    %or3A_41 = arith.ori %shift_left3A_37, %shift_right_logical3A_40 : vector<128x3200xi32>
    %xor3A_42 = arith.xori %or3A_41, %add3A_34 : vector<128x3200xi32>
    %add3A_43 = arith.constant -1042067111 : i32
    %add3A_44 = vector.broadcast %add3A_43 : i32 to vector<128x3200xi32>
    %add3A_45 = arith.addi %add3A_34, %add3A_44 : vector<128x3200xi32>
    %add3A_46 = arith.constant -332575357 : i32
    %add3A_47 = vector.broadcast %add3A_46 : i32 to vector<128x3200xi32>
    %add3A_48 = arith.addi %xor3A_42, %add3A_47 : vector<128x3200xi32>
    %add3A_49 = arith.constant 1 : i32
    %add3A_50 = vector.broadcast %add3A_49 : i32 to vector<128x3200xi32>
    %add3A_51 = arith.addi %add3A_48, %add3A_50 : vector<128x3200xi32>
    %add3A_52 = arith.addi %add3A_45, %add3A_51 : vector<128x3200xi32>
    %shift_left3A_53 = arith.constant 17 : i32
    %shift_left3A_54 = vector.broadcast %shift_left3A_53 : i32 to vector<128x3200xi32>
    %shift_left3A_55 = arith.shli %add3A_51, %shift_left3A_54 : vector<128x3200xi32>
    %shift_right_logical3A_56 = arith.constant 15 : i32
    %shift_right_logical3A_57 = vector.broadcast %shift_right_logical3A_56 : i32 to vector<128x3200xi32>
    %shift_right_logical3A_58 = arith.shrui %add3A_51, %shift_right_logical3A_57 : vector<128x3200xi32>
    %or3A_59 = arith.ori %shift_left3A_55, %shift_right_logical3A_58 : vector<128x3200xi32>
    %xor3A_60 = arith.xori %or3A_59, %add3A_52 : vector<128x3200xi32>
    %add3A_61 = arith.addi %add3A_52, %xor3A_60 : vector<128x3200xi32>
    %shift_left3A_62 = arith.constant 29 : i32
    %shift_left3A_63 = vector.broadcast %shift_left3A_62 : i32 to vector<128x3200xi32>
    %shift_left3A_64 = arith.shli %xor3A_60, %shift_left3A_63 : vector<128x3200xi32>
    %shift_right_logical3A_65 = arith.constant 3 : i32
    %shift_right_logical3A_66 = vector.broadcast %shift_right_logical3A_65 : i32 to vector<128x3200xi32>
    %shift_right_logical3A_67 = arith.shrui %xor3A_60, %shift_right_logical3A_66 : vector<128x3200xi32>
    %or3A_68 = arith.ori %shift_left3A_64, %shift_right_logical3A_67 : vector<128x3200xi32>
    %xor3A_69 = arith.xori %or3A_68, %add3A_61 : vector<128x3200xi32>
    %add3A_70 = arith.addi %add3A_61, %xor3A_69 : vector<128x3200xi32>
    %shift_left3A_71 = arith.constant 16 : i32
    %shift_left3A_72 = vector.broadcast %shift_left3A_71 : i32 to vector<128x3200xi32>
    %shift_left3A_73 = arith.shli %xor3A_69, %shift_left3A_72 : vector<128x3200xi32>
    %shift_right_logical3A_74 = arith.constant 16 : i32
    %shift_right_logical3A_75 = vector.broadcast %shift_right_logical3A_74 : i32 to vector<128x3200xi32>
    %shift_right_logical3A_76 = arith.shrui %xor3A_69, %shift_right_logical3A_75 : vector<128x3200xi32>
    %or3A_77 = arith.ori %shift_left3A_73, %shift_right_logical3A_76 : vector<128x3200xi32>
    %xor3A_78 = arith.xori %or3A_77, %add3A_70 : vector<128x3200xi32>
    %add3A_79 = arith.addi %add3A_70, %xor3A_78 : vector<128x3200xi32>
    %shift_left3A_80 = arith.constant 24 : i32
    %shift_left3A_81 = vector.broadcast %shift_left3A_80 : i32 to vector<128x3200xi32>
    %shift_left3A_82 = arith.shli %xor3A_78, %shift_left3A_81 : vector<128x3200xi32>
    %shift_right_logical3A_83 = arith.constant 8 : i32
    %shift_right_logical3A_84 = vector.broadcast %shift_right_logical3A_83 : i32 to vector<128x3200xi32>
    %shift_right_logical3A_85 = arith.shrui %xor3A_78, %shift_right_logical3A_84 : vector<128x3200xi32>
    %or3A_86 = arith.ori %shift_left3A_82, %shift_right_logical3A_85 : vector<128x3200xi32>
    %xor3A_87 = arith.xori %or3A_86, %add3A_79 : vector<128x3200xi32>
    %add3A_88 = arith.constant -332575357 : i32
    %add3A_89 = vector.broadcast %add3A_88 : i32 to vector<128x3200xi32>
    %add3A_90 = arith.addi %add3A_79, %add3A_89 : vector<128x3200xi32>
    %add3A_91 = arith.constant 908003072 : i32
    %add3A_92 = vector.broadcast %add3A_91 : i32 to vector<128x3200xi32>
    %add3A_93 = arith.addi %xor3A_87, %add3A_92 : vector<128x3200xi32>
    %add3A_94 = arith.constant 2 : i32
    %add3A_95 = vector.broadcast %add3A_94 : i32 to vector<128x3200xi32>
    %add3A_96 = arith.addi %add3A_93, %add3A_95 : vector<128x3200xi32>
    %add3A_97 = arith.addi %add3A_90, %add3A_96 : vector<128x3200xi32>
    %shift_left3A_98 = arith.constant 13 : i32
    %shift_left3A_99 = vector.broadcast %shift_left3A_98 : i32 to vector<128x3200xi32>
    %shift_left3A_100 = arith.shli %add3A_96, %shift_left3A_99 : vector<128x3200xi32>
    %shift_right_logical3A_101 = arith.constant 19 : i32
    %shift_right_logical3A_102 = vector.broadcast %shift_right_logical3A_101 : i32 to vector<128x3200xi32>
    %shift_right_logical3A_103 = arith.shrui %add3A_96, %shift_right_logical3A_102 : vector<128x3200xi32>
    %or3A_104 = arith.ori %shift_left3A_100, %shift_right_logical3A_103 : vector<128x3200xi32>
    %xor3A_105 = arith.xori %or3A_104, %add3A_97 : vector<128x3200xi32>
    %add3A_106 = arith.addi %add3A_97, %xor3A_105 : vector<128x3200xi32>
    %shift_left3A_107 = arith.constant 15 : i32
    %shift_left3A_108 = vector.broadcast %shift_left3A_107 : i32 to vector<128x3200xi32>
    %shift_left3A_109 = arith.shli %xor3A_105, %shift_left3A_108 : vector<128x3200xi32>
    %shift_right_logical3A_110 = arith.constant 17 : i32
    %shift_right_logical3A_111 = vector.broadcast %shift_right_logical3A_110 : i32 to vector<128x3200xi32>
    %shift_right_logical3A_112 = arith.shrui %xor3A_105, %shift_right_logical3A_111 : vector<128x3200xi32>
    %or3A_113 = arith.ori %shift_left3A_109, %shift_right_logical3A_112 : vector<128x3200xi32>
    %xor3A_114 = arith.xori %or3A_113, %add3A_106 : vector<128x3200xi32>
    %add3A_115 = arith.addi %add3A_106, %xor3A_114 : vector<128x3200xi32>
    %shift_left3A_116 = arith.constant 26 : i32
    %shift_left3A_117 = vector.broadcast %shift_left3A_116 : i32 to vector<128x3200xi32>
    %shift_left3A_118 = arith.shli %xor3A_114, %shift_left3A_117 : vector<128x3200xi32>
    %shift_right_logical3A_119 = arith.constant 6 : i32
    %shift_right_logical3A_120 = vector.broadcast %shift_right_logical3A_119 : i32 to vector<128x3200xi32>
    %shift_right_logical3A_121 = arith.shrui %xor3A_114, %shift_right_logical3A_120 : vector<128x3200xi32>
    %or3A_122 = arith.ori %shift_left3A_118, %shift_right_logical3A_121 : vector<128x3200xi32>
    %xor3A_123 = arith.xori %or3A_122, %add3A_115 : vector<128x3200xi32>
    %add3A_124 = arith.addi %add3A_115, %xor3A_123 : vector<128x3200xi32>
    %shift_left3A_125 = arith.constant 6 : i32
    %shift_left3A_126 = vector.broadcast %shift_left3A_125 : i32 to vector<128x3200xi32>
    %shift_left3A_127 = arith.shli %xor3A_123, %shift_left3A_126 : vector<128x3200xi32>
    %shift_right_logical3A_128 = arith.constant 26 : i32
    %shift_right_logical3A_129 = vector.broadcast %shift_right_logical3A_128 : i32 to vector<128x3200xi32>
    %shift_right_logical3A_130 = arith.shrui %xor3A_123, %shift_right_logical3A_129 : vector<128x3200xi32>
    %or3A_131 = arith.ori %shift_left3A_127, %shift_right_logical3A_130 : vector<128x3200xi32>
    %xor3A_132 = arith.xori %or3A_131, %add3A_124 : vector<128x3200xi32>
    %add3A_133 = arith.constant 908003072 : i32
    %add3A_134 = vector.broadcast %add3A_133 : i32 to vector<128x3200xi32>
    %add3A_135 = arith.addi %add3A_124, %add3A_134 : vector<128x3200xi32>
    %add3A_136 = arith.constant -1042067111 : i32
    %add3A_137 = vector.broadcast %add3A_136 : i32 to vector<128x3200xi32>
    %add3A_138 = arith.addi %xor3A_132, %add3A_137 : vector<128x3200xi32>
    %add3A_139 = arith.constant 3 : i32
    %add3A_140 = vector.broadcast %add3A_139 : i32 to vector<128x3200xi32>
    %add3A_141 = arith.addi %add3A_138, %add3A_140 : vector<128x3200xi32>
    %add3A_142 = arith.addi %add3A_135, %add3A_141 : vector<128x3200xi32>
    %shift_left3A_143 = arith.constant 17 : i32
    %shift_left3A_144 = vector.broadcast %shift_left3A_143 : i32 to vector<128x3200xi32>
    %shift_left3A_145 = arith.shli %add3A_141, %shift_left3A_144 : vector<128x3200xi32>
    %shift_right_logical3A_146 = arith.constant 15 : i32
    %shift_right_logical3A_147 = vector.broadcast %shift_right_logical3A_146 : i32 to vector<128x3200xi32>
    %shift_right_logical3A_148 = arith.shrui %add3A_141, %shift_right_logical3A_147 : vector<128x3200xi32>
    %or3A_149 = arith.ori %shift_left3A_145, %shift_right_logical3A_148 : vector<128x3200xi32>
    %xor3A_150 = arith.xori %or3A_149, %add3A_142 : vector<128x3200xi32>
    %add3A_151 = arith.addi %add3A_142, %xor3A_150 : vector<128x3200xi32>
    %shift_left3A_152 = arith.constant 29 : i32
    %shift_left3A_153 = vector.broadcast %shift_left3A_152 : i32 to vector<128x3200xi32>
    %shift_left3A_154 = arith.shli %xor3A_150, %shift_left3A_153 : vector<128x3200xi32>
    %shift_right_logical3A_155 = arith.constant 3 : i32
    %shift_right_logical3A_156 = vector.broadcast %shift_right_logical3A_155 : i32 to vector<128x3200xi32>
    %shift_right_logical3A_157 = arith.shrui %xor3A_150, %shift_right_logical3A_156 : vector<128x3200xi32>
    %or3A_158 = arith.ori %shift_left3A_154, %shift_right_logical3A_157 : vector<128x3200xi32>
    %xor3A_159 = arith.xori %or3A_158, %add3A_151 : vector<128x3200xi32>
    %add3A_160 = arith.addi %add3A_151, %xor3A_159 : vector<128x3200xi32>
    %shift_left3A_161 = arith.constant 16 : i32
    %shift_left3A_162 = vector.broadcast %shift_left3A_161 : i32 to vector<128x3200xi32>
    %shift_left3A_163 = arith.shli %xor3A_159, %shift_left3A_162 : vector<128x3200xi32>
    %shift_right_logical3A_164 = arith.constant 16 : i32
    %shift_right_logical3A_165 = vector.broadcast %shift_right_logical3A_164 : i32 to vector<128x3200xi32>
    %shift_right_logical3A_166 = arith.shrui %xor3A_159, %shift_right_logical3A_165 : vector<128x3200xi32>
    %or3A_167 = arith.ori %shift_left3A_163, %shift_right_logical3A_166 : vector<128x3200xi32>
    %xor3A_168 = arith.xori %or3A_167, %add3A_160 : vector<128x3200xi32>
    %add3A_169 = arith.addi %add3A_160, %xor3A_168 : vector<128x3200xi32>
    %shift_left3A_170 = arith.constant 24 : i32
    %shift_left3A_171 = vector.broadcast %shift_left3A_170 : i32 to vector<128x3200xi32>
    %shift_left3A_172 = arith.shli %xor3A_168, %shift_left3A_171 : vector<128x3200xi32>
    %shift_right_logical3A_173 = arith.constant 8 : i32
    %shift_right_logical3A_174 = vector.broadcast %shift_right_logical3A_173 : i32 to vector<128x3200xi32>
    %shift_right_logical3A_175 = arith.shrui %xor3A_168, %shift_right_logical3A_174 : vector<128x3200xi32>
    %or3A_176 = arith.ori %shift_left3A_172, %shift_right_logical3A_175 : vector<128x3200xi32>
    %xor3A_177 = arith.xori %or3A_176, %add3A_169 : vector<128x3200xi32>
    %add3A_178 = arith.constant -1042067111 : i32
    %add3A_179 = vector.broadcast %add3A_178 : i32 to vector<128x3200xi32>
    %add3A_180 = arith.addi %add3A_169, %add3A_179 : vector<128x3200xi32>
    %add3A_181 = arith.constant -332575357 : i32
    %add3A_182 = vector.broadcast %add3A_181 : i32 to vector<128x3200xi32>
    %add3A_183 = arith.addi %xor3A_177, %add3A_182 : vector<128x3200xi32>
    %add3A_184 = arith.constant 4 : i32
    %add3A_185 = vector.broadcast %add3A_184 : i32 to vector<128x3200xi32>
    %add3A_186 = arith.addi %add3A_183, %add3A_185 : vector<128x3200xi32>
    %add3A_187 = arith.addi %add3A_180, %add3A_186 : vector<128x3200xi32>
    %shift_left3A_188 = arith.constant 13 : i32
    %shift_left3A_189 = vector.broadcast %shift_left3A_188 : i32 to vector<128x3200xi32>
    %shift_left3A_190 = arith.shli %add3A_186, %shift_left3A_189 : vector<128x3200xi32>
    %shift_right_logical3A_191 = arith.constant 19 : i32
    %shift_right_logical3A_192 = vector.broadcast %shift_right_logical3A_191 : i32 to vector<128x3200xi32>
    %shift_right_logical3A_193 = arith.shrui %add3A_186, %shift_right_logical3A_192 : vector<128x3200xi32>
    %or3A_194 = arith.ori %shift_left3A_190, %shift_right_logical3A_193 : vector<128x3200xi32>
    %xor3A_195 = arith.xori %or3A_194, %add3A_187 : vector<128x3200xi32>
    %add3A_196 = arith.addi %add3A_187, %xor3A_195 : vector<128x3200xi32>
    %shift_left3A_197 = arith.constant 15 : i32
    %shift_left3A_198 = vector.broadcast %shift_left3A_197 : i32 to vector<128x3200xi32>
    %shift_left3A_199 = arith.shli %xor3A_195, %shift_left3A_198 : vector<128x3200xi32>
    %shift_right_logical3A_200 = arith.constant 17 : i32
    %shift_right_logical3A_201 = vector.broadcast %shift_right_logical3A_200 : i32 to vector<128x3200xi32>
    %shift_right_logical3A_202 = arith.shrui %xor3A_195, %shift_right_logical3A_201 : vector<128x3200xi32>
    %or3A_203 = arith.ori %shift_left3A_199, %shift_right_logical3A_202 : vector<128x3200xi32>
    %xor3A_204 = arith.xori %or3A_203, %add3A_196 : vector<128x3200xi32>
    %add3A_205 = arith.addi %add3A_196, %xor3A_204 : vector<128x3200xi32>
    %shift_left3A_206 = arith.constant 26 : i32
    %shift_left3A_207 = vector.broadcast %shift_left3A_206 : i32 to vector<128x3200xi32>
    %shift_left3A_208 = arith.shli %xor3A_204, %shift_left3A_207 : vector<128x3200xi32>
    %shift_right_logical3A_209 = arith.constant 6 : i32
    %shift_right_logical3A_210 = vector.broadcast %shift_right_logical3A_209 : i32 to vector<128x3200xi32>
    %shift_right_logical3A_211 = arith.shrui %xor3A_204, %shift_right_logical3A_210 : vector<128x3200xi32>
    %or3A_212 = arith.ori %shift_left3A_208, %shift_right_logical3A_211 : vector<128x3200xi32>
    %xor3A_213 = arith.xori %or3A_212, %add3A_205 : vector<128x3200xi32>
    %add3A_214 = arith.addi %add3A_205, %xor3A_213 : vector<128x3200xi32>
    %shift_left3A_215 = arith.constant 6 : i32
    %shift_left3A_216 = vector.broadcast %shift_left3A_215 : i32 to vector<128x3200xi32>
    %shift_left3A_217 = arith.shli %xor3A_213, %shift_left3A_216 : vector<128x3200xi32>
    %shift_right_logical3A_218 = arith.constant 26 : i32
    %shift_right_logical3A_219 = vector.broadcast %shift_right_logical3A_218 : i32 to vector<128x3200xi32>
    %shift_right_logical3A_220 = arith.shrui %xor3A_213, %shift_right_logical3A_219 : vector<128x3200xi32>
    %or3A_221 = arith.ori %shift_left3A_217, %shift_right_logical3A_220 : vector<128x3200xi32>
    %xor3A_222 = arith.xori %or3A_221, %add3A_214 : vector<128x3200xi32>
    %add3A_223 = arith.constant -332575357 : i32
    %add3A_224 = vector.broadcast %add3A_223 : i32 to vector<128x3200xi32>
    %add3A_225 = arith.addi %add3A_214, %add3A_224 : vector<128x3200xi32>
    %add3A_226 = arith.constant 908003072 : i32
    %add3A_227 = vector.broadcast %add3A_226 : i32 to vector<128x3200xi32>
    %add3A_228 = arith.addi %xor3A_222, %add3A_227 : vector<128x3200xi32>
    %add3A_229 = arith.constant 5 : i32
    %add3A_230 = vector.broadcast %add3A_229 : i32 to vector<128x3200xi32>
    %add3A_231 = arith.addi %add3A_228, %add3A_230 : vector<128x3200xi32>
    %xor3A_232 = arith.xori %add3A_225, %add3A_231 : vector<128x3200xi32>
    %shift_right_logical3A_233 = arith.constant 9 : i32
    %shift_right_logical3A_234 = vector.broadcast %shift_right_logical3A_233 : i32 to vector<128x3200xi32>
    %shift_right_logical3A_235 = arith.shrui %xor3A_232, %shift_right_logical3A_234 : vector<128x3200xi32>
    %or3A_236 = arith.constant 1065353216 : i32
    %or3A_237 = vector.broadcast %or3A_236 : i32 to vector<128x3200xi32>
    %or3A_238 = arith.ori %shift_right_logical3A_235, %or3A_237 : vector<128x3200xi32>
    %bitcast_convert_type3A = tpu.bitcast %or3A_238 : vector<128x3200xi32> -> vector<128x3200xf32>
    %sub3A = arith.constant 1.000000e+00 : f32
    %sub3A_239 = vector.broadcast %sub3A : f32 to vector<128x3200xf32>
    %sub3A_240 = arith.subf %bitcast_convert_type3A, %sub3A_239 : vector<128x3200xf32>
    %mul3A_241 = arith.constant 2.000000e+00 : f32
    %mul3A_242 = vector.broadcast %mul3A_241 : f32 to vector<128x3200xf32>
    %mul3A_243 = arith.mulf %sub3A_240, %mul3A_242 : vector<128x3200xf32>
    %add3A_244 = arith.constant -0.99999994 : f32
    %add3A_245 = vector.broadcast %add3A_244 : f32 to vector<128x3200xf32>
    %add3A_246 = arith.addf %mul3A_243, %add3A_245 : vector<128x3200xf32>
    %max3A = arith.constant -0.99999994 : f32
    %max3A_247 = vector.broadcast %max3A : f32 to vector<128x3200xf32>
    %max3A_248 = arith.maximumf %max3A_247, %add3A_246 : vector<128x3200xf32>
    %neg3A = arith.constant 0.000000e+00 : f32
    %neg3A_249 = vector.broadcast %neg3A : f32 to vector<128x3200xf32>
    %neg3A_250 = arith.subf %neg3A_249, %max3A_248 : vector<128x3200xf32>
    %mul3A_251 = arith.mulf %neg3A_250, %max3A_248 : vector<128x3200xf32>
    %log1p3A = math.log1p %mul3A_251 : vector<128x3200xf32>
    %neg3A_252 = arith.constant 0.000000e+00 : f32
    %neg3A_253 = vector.broadcast %neg3A_252 : f32 to vector<128x3200xf32>
    %neg3A_254 = arith.subf %neg3A_253, %log1p3A : vector<128x3200xf32>
    %sqrt3A = math.sqrt %neg3A_254 : vector<128x3200xf32>
    %broadcast_in_dim3A_255 = arith.constant -1.17866861E-4 : f32
    %broadcast_in_dim3A_256 = vector.broadcast %broadcast_in_dim3A_255 : f32 to vector<128x3200xf32>
    %mul3A_257 = arith.mulf %broadcast_in_dim3A_256, %sqrt3A : vector<128x3200xf32>
    %add3A_258 = arith.constant 0.00158184336 : f32
    %add3A_259 = vector.broadcast %add3A_258 : f32 to vector<128x3200xf32>
    %add3A_260 = arith.addf %mul3A_257, %add3A_259 : vector<128x3200xf32>
    %mul3A_261 = arith.mulf %add3A_260, %sqrt3A : vector<128x3200xf32>
    %add3A_262 = arith.constant -0.00758586731 : f32
    %add3A_263 = vector.broadcast %add3A_262 : f32 to vector<128x3200xf32>
    %add3A_264 = arith.addf %mul3A_261, %add3A_263 : vector<128x3200xf32>
    %mul3A_265 = arith.mulf %add3A_264, %sqrt3A : vector<128x3200xf32>
    %add3A_266 = arith.constant 0.0146401925 : f32
    %add3A_267 = vector.broadcast %add3A_266 : f32 to vector<128x3200xf32>
    %add3A_268 = arith.addf %mul3A_265, %add3A_267 : vector<128x3200xf32>
    %mul3A_269 = arith.mulf %add3A_268, %sqrt3A : vector<128x3200xf32>
    %add3A_270 = arith.constant -0.0109462878 : f32
    %add3A_271 = vector.broadcast %add3A_270 : f32 to vector<128x3200xf32>
    %add3A_272 = arith.addf %mul3A_269, %add3A_271 : vector<128x3200xf32>
    %mul3A_273 = arith.mulf %add3A_272, %sqrt3A : vector<128x3200xf32>
    %add3A_274 = arith.constant 0.0372083709 : f32
    %add3A_275 = vector.broadcast %add3A_274 : f32 to vector<128x3200xf32>
    %add3A_276 = arith.addf %mul3A_273, %add3A_275 : vector<128x3200xf32>
    %mul3A_277 = arith.mulf %add3A_276, %sqrt3A : vector<128x3200xf32>
    %add3A_278 = arith.constant -7.09370768E-4 : f32
    %add3A_279 = vector.broadcast %add3A_278 : f32 to vector<128x3200xf32>
    %add3A_280 = arith.addf %mul3A_277, %add3A_279 : vector<128x3200xf32>
    %mul3A_281 = arith.mulf %add3A_280, %sqrt3A : vector<128x3200xf32>
    %add3A_282 = arith.constant 0.125358596 : f32
    %add3A_283 = vector.broadcast %add3A_282 : f32 to vector<128x3200xf32>
    %add3A_284 = arith.addf %mul3A_281, %add3A_283 : vector<128x3200xf32>
    %mul3A_285 = arith.mulf %max3A_248, %add3A_284 : vector<128x3200xf32>
    %swap3A = arith.constant 0 : index
    %swap3A_286 = arith.constant 0 : index
    %swap3A_287 = vector.load %arg1[%swap3A, %swap3A_286] : memref<128x3200xf32, #tpu.memory_space<vmem>>, vector<128x3200xf32>
    tpu.vector_store %arg1[%swap3A, %swap3A_286], %mul3A_285 {strides = array<i32>} : memref<128x3200xf32, #tpu.memory_space<vmem>>, vector<128x3200xf32>,
    return
  }
  func.func @transform_0(%arg0: i32) -> (i32, i32) {
    %c0_i32 = arith.constant 0 : i32
    %c0_i32_0 = arith.constant 0 : i32
    return %arg0, %c0_i32 : i32, i32
  }
}

module attributes {stable_mosaic.version = 14 : i64} {
  func.func @_add_body(%arg0: i32, %arg1: memref<128x3200xf32, #tpu.memory_space<vmem>>, %arg2: memref<128x3200xf32, #tpu.memory_space<vmem>>, %arg3: memref<128x3200xf32, #tpu.memory_space<vmem>>) attributes {dimension_semantics = [#tpu.dimension_semantics<arbitrary>], iteration_bounds = array<i64: 128>, scalar_prefetch = 0 : i64, scratch_operands = 0 : i64, tpu.core_type = #tpu.core_type<tc>, window_params = [{transform_indices = @transform_0, window_bounds = array<i64: 128, 3200>}, {transform_indices = @transform_1, window_bounds = array<i64: 128, 3200>}, {transform_indices = @transform_2, window_bounds = array<i64: 128, 3200>}]} {
    %get3A = arith.constant 0 : index
    %get3A_0 = arith.constant 0 : index
    %get3A_1 = vector.load %arg1[%get3A, %get3A_0] : memref<128x3200xf32, #tpu.memory_space<vmem>>, vector<128x3200xf32>
    %get3A_2 = arith.constant 0 : index
    %get3A_3 = arith.constant 0 : index
    %get3A_4 = vector.load %arg2[%get3A_2, %get3A_3] : memref<128x3200xf32, #tpu.memory_space<vmem>>, vector<128x3200xf32>
    %add3A = arith.addf %get3A_1, %get3A_4 : vector<128x3200xf32>
    %jit3A = arith.constant -1.000000e+00 : f32
    %jit3A_5 = arith.constant 1.000000e+00 : f32
    %max3A = vector.broadcast %jit3A : f32 to vector<128x3200xf32>
    %max3A_6 = arith.maximumf %max3A, %add3A : vector<128x3200xf32>
    %min3A = vector.broadcast %jit3A_5 : f32 to vector<128x3200xf32>
    %min3A_7 = arith.minimumf %min3A, %max3A_6 : vector<128x3200xf32>
    %swap3A = arith.constant 0 : index
    %swap3A_8 = arith.constant 0 : index
    %swap3A_9 = vector.load %arg3[%swap3A, %swap3A_8] : memref<128x3200xf32, #tpu.memory_space<vmem>>, vector<128x3200xf32>
    tpu.vector_store %arg3[%swap3A, %swap3A_8], %min3A_7 {strides = array<i32>} : memref<128x3200xf32, #tpu.memory_space<vmem>>, vector<128x3200xf32>,
    return
  }
  func.func @transform_0(%arg0: i32) -> (i32, i32) {
    %c0_i32 = arith.constant 0 : i32
    %c0_i32_0 = arith.constant 0 : i32
    return %arg0, %c0_i32 : i32, i32
  }
  func.func @transform_1(%arg0: i32) -> (i32, i32) {
    %c0_i32 = arith.constant 0 : i32
    %c0_i32_0 = arith.constant 0 : i32
    return %arg0, %c0_i32 : i32, i32
  }
  func.func @transform_2(%arg0: i32) -> (i32, i32) {
    %c0_i32 = arith.constant 0 : i32
    %c0_i32_0 = arith.constant 0 : i32
    return %arg0, %c0_i32 : i32, i32
  }
}

</mosaic_0001>

<sc_bundles>
// kernel: kernel.5.cloned.1.call-start
scs
__scs_entry_jumppad:
0x0: {  	(pc) =	sbr.rel $0x88, $3  }
0x1: {  	(tag) =	ssettag $0x0;
	lr =	simm.s32 $0x1  }
0x2: {  	[smem:$0x3F9F] =	sst lr;
	_ =	strace $0xD0000000  }
0x3: {  	_ = 	snop  }
0x4: {  	_ = 	snop  }
0x5: {  	_ = 	snop  }
0x6: {  	_ = 	snop  }
0x7: {  	_ = 	snop  }
__scs_overlays_trampoline_lowered:
0x8: {  	[smem:$0x3FAE] =	sst s0  }
0x9: {  	[smem:$0x3FAF] =	sst s1  }
0xa: {  	[smem:$0x3FB0] =	sst s2  }
0xb: {  	[smem:$0x3FB1] =	sst s3  }
0xc: {  	[smem:$0x3FB2] =	sst s4  }
0xd: {  	[smem:$0x3FB3] =	sst s5  }
0xe: {  	[smem:$0x3FB4] =	sst s6  }
0xf: {  	[smem:$0x3FB5] =	sst s7  }
0x10: {  	[smem:$0x3FB6] =	sst s8  }
0x11: {  	[smem:$0x3FB7] =	sst s9;
	s0 =	simm.s32 @!p0 $0x0  }
0x12: {  	s1 =	sld [smem:$0x3F9D];
	s0 =	simm.s32 @p0 $0x1  }
0x13: {  	[smem:$0x3FB8] =	sst s0;
	s0 =	simm.s32 @!p1 $0x0  }
0x14: {  	s2 =	sld [smem:$0x3F9C];
	s0 =	simm.s32 @p1 $0x1  }
0x15: {  	[smem:$0x3FB9] =	sst s0;
	s0 =	simm.s32 @!p2 $0x0  }
0x16: {  	s3 =	sld [smem:$0x3FDB];
	s0 =	simm.s32 @p2 $0x1  }
0x17: {  	s4 =	simm.s32 $0x1BF5;
	[smem:$0x3FBB] =	sst s0  }
0x18: {  	s0 =	sld [smem:$0x3F9E];
	_ =	swait.ge [sflag:s4], $0x0  }
0x19: {  	s7 =	sld [smem:$0x3F9F]  }
0x1a: {  	s8 =	sadd.s32 $0xFFFFE003, lr  }
0x1b: {  	s9 =	sadd.s32 $0xFFFFFEF7, lr;
	s5 =	simm.s32 $0xFFFFFFFF;
	p2 =	slt.u32 s8, $0xFFFFF086  }
0x1c: {  	p1 =	slt.u32 s9, $0xF7A;
	s5 =	simm.s32 @!p2 $0x0  }
0x1d: {  	s5 =	simm.s32 @p1 $0x1;
	p0 =	seq.s32 s7, s2  }
0x1e: {  	s7 =	smul.u32 @!p0 $0xF7A, s2;
	p2 =	seq.s32 @!p0 s5, $0x0  }
0x1f: {  	s9 =	smul.u32 $0xF7A, s1;
	s8 =	simm.s32 @!p0 $0x1BF5;
	p2 =	por !p2, p0  }
0x20: {  	[sflag:s8] =	ssyncset.s32 @!p0 $0xFFFFF086;
	s6 =	sadd.s32 @!p0 s3, s7;
	s7 =	simm.s32 @!p0 $0x108  }
0x21: {  	s3 =	sadd.s32 s3, s9;
	s6 =	sadd.s32 @!p0 $0x88, s6;
	s7 =	simm.s32 @p2 $0x1082  }
0x22: {  	[simem:s7], [sflag:s8] =	dma.local @!p0 [hbm:s6], $0xF7A  }
0x23: {  	s9 =	sor.u32 $0xD0000000, s2;
	s6 =	simm.s32 $0x108;
	_ =	swait.ge @!p0 [sflag:s8], $0x0  }
0x24: {  	s3 =	sadd.s32 $0x88, s3;
	s6 =	simm.s32 @!p1 $0x1082;
	[sflag:s4] =	ssyncset.s32 $0xFFFFF086  }
0x25: {  	[simem:s6], [sflag:s4] =	dma.local [hbm:s3], $0xF7A  }
0x26: {  	[smem:$0x3F9F] =	sst s1;
	(tag) =	ssettag s2;
	_ =	strace s9  }
0x27: {  	s1 =	sld [smem:$0x3FAF]  }
0x28: {  	s2 =	sld [smem:$0x3FB0]  }
0x29: {  	s4 =	sld [smem:$0x3FB2]  }
0x2a: {  	p0 =	seq.s32 s5, $0x0;
	s5 =	sld [smem:$0x3FB3]  }
0x2b: {  	s6 =	sld [smem:$0x3FB4]  }
0x2c: {  	s7 =	sld [smem:$0x3FB5]  }
0x2d: {  	s3 =	simm.s32 $0x108;
	s8 =	sld [smem:$0x3FB6]  }
0x2e: {  	s3 =	simm.s32 @!p0 $0x1082;
	s9 =	sld [smem:$0x3FB7]  }
0x2f: {  	lr =	sadd.s32 s0, s3;
	s0 =	sld [smem:$0x3FAE]  }
0x30: {  	s3 =	sld [smem:$0x3FB1]  }
0x31: {  	[smem:$0x3FBA] =	sst s10  }
0x32: {  	s10 =	sld [smem:$0x3FB8];
	_ =	sdelay $0x3  }
0x33: {  	p0 =	seq.s32 s10, $0x1;
	s10 =	sld [smem:$0x3FBA];
	_ =	sdelay $0x3  }
0x34: {  	[smem:$0x3FBA] =	sst s10  }
0x35: {  	s10 =	sld [smem:$0x3FB9];
	_ =	sdelay $0x3  }
0x36: {  	p1 =	seq.s32 s10, $0x1;
	s10 =	sld [smem:$0x3FBA];
	_ =	sdelay $0x3  }
0x37: {  	[smem:$0x3FBA] =	sst s10  }
0x38: {  	s10 =	sld [smem:$0x3FBB]  }
0x39: {  	_ = 	snop;
	(pc) =	sbr.ind lr, $3  }
0x3a: {  	_ = 	snop  }
0x3b: {  	_ = 	snop  }
0x3c: {  	p2 =	seq.s32 s10, $0x1;
	s10 =	sld [smem:$0x3FBA]  }
0x3d: {  	_ =	shalt  }
0x3e: {  	_ =	shalt  }
0x3f: {  	_ =	shalt  }
0x40: {  	_ =	shalt  }
0x41: {  	_ =	shalt  }
0x42: {  	_ =	shalt  }
0x43: {  	_ =	shalt  }
0x44: {  	_ =	shalt  }
0x45: {  	_ =	shalt  }
0x46: {  	_ =	shalt  }
0x47: {  	_ =	shalt  }
0x48: {  	_ =	shalt  }
0x49: {  	_ =	shalt  }
0x4a: {  	_ =	shalt  }
0x4b: {  	_ =	shalt  }
0x4c: {  	_ =	shalt  }
0x4d: {  	_ =	shalt  }
0x4e: {  	_ =	shalt  }
0x4f: {  	_ =	shalt  }
0x50: {  	_ =	shalt  }
0x51: {  	_ =	shalt  }
0x52: {  	_ =	shalt  }
0x53: {  	_ =	shalt  }
0x54: {  	_ =	shalt  }
0x55: {  	_ =	shalt  }
0x56: {  	_ =	shalt  }
0x57: {  	_ =	shalt  }
0x58: {  	_ =	shalt  }
0x59: {  	_ =	shalt  }
0x5a: {  	_ =	shalt  }
0x5b: {  	_ =	shalt  }
0x5c: {  	_ =	shalt  }
0x5d: {  	_ =	shalt  }
0x5e: {  	_ =	shalt  }
0x5f: {  	_ =	shalt  }
0x60: {  	_ =	shalt  }
0x61: {  	_ =	shalt  }
0x62: {  	_ =	shalt  }
0x63: {  	_ =	shalt  }
0x64: {  	_ =	shalt  }
0x65: {  	_ =	shalt  }
0x66: {  	_ =	shalt  }
0x67: {  	_ =	shalt  }
0x68: {  	_ =	shalt  }
0x69: {  	_ =	shalt  }
0x6a: {  	_ =	shalt  }
0x6b: {  	_ =	shalt  }
0x6c: {  	_ =	shalt  }
0x6d: {  	_ =	shalt  }
0x6e: {  	_ =	shalt  }
0x6f: {  	_ =	shalt  }
0x70: {  	_ =	shalt  }
0x71: {  	_ =	shalt  }
0x72: {  	_ =	shalt  }
0x73: {  	_ =	shalt  }
0x74: {  	_ =	shalt  }
0x75: {  	_ =	shalt  }
0x76: {  	_ =	shalt  }
0x77: {  	_ =	shalt  }
0x78: {  	_ =	shalt  }
0x79: {  	_ =	shalt  }
0x7a: {  	_ =	shalt  }
0x7b: {  	_ =	shalt  }
0x7c: {  	_ =	shalt  }
0x7d: {  	_ =	shalt  }
0x7e: {  	_ =	shalt  }
0x7f: {  	_ =	shalt  }
0x80: {  	_ =	shalt  }
0x81: {  	_ =	shalt  }
0x82: {  	_ =	shalt  }
0x83: {  	_ =	shalt  }
0x84: {  	_ =	shalt  }
0x85: {  	_ =	shalt  }
0x86: {  	_ =	shalt  }
0x87: {  	_ =	shalt  }
.Lfunc_end0:
.L_simem_size_0:
called_computation_lowered:
.L_overlay_start_0:
0x88: {  	s2 =	sld [smem:$0x3FD9]  }
0x89: {  	s3 =	sld [smem:$0x3FFE];
	_ =	sdelay $0x1  }
0x8a: {  	s1 =	srdreg.scid  }
0x8b: {  	s0 =	sand.u32 $0x1, s1  }
0x8c: {  	s17 =	sshll.u32 s0, $0xA;
	s2 =	sadd.s32 s3, s2  }
0x8d: {  	s2 =	sadd.s32 s2, s17  }
0x8e: {  	[smem:$0x3FC6] =	sst s2  }
0x8f: {  	_ = 	snop  }
0x90: {  	s2 =	sld [smem:$0x3FD0];
	(tm) =	ssettm $0x1  }
0x91: {  	s18 =	sld [smem:$0x3FFB];
	_ =	sdelay $0x3  }
0x92: {  	_ =	strace s18  }
0x93: {  	s3 =	sld [smem:$0x3FFC];
	_ =	sdelay $0x3  }
0x94: {  	_ =	strace s3  }
0x95: {  	s3 =	sld [smem:$0x3FFD];
	_ =	sdelay $0x3  }
0x96: {  	_ =	strace s3  }
0x97: {  	_ =	strace $0x8FFFFFFF  }
0x98: {  	s19 =	sld [smem:$0x3FDB];
	_ =	sdelay $0x1  }
0x99: {  	s4 =	simm.s32 $_scs_section_size  }
0x9a: {  	s5 =	simm.s32 $_size__tile_overlayer_lowered;
	s6 =	simm.s32 $_tile_overlayer_lowered  }
0x9b: {  	s22 =	simm.s32 $0x1BFF;
	s21 =	sshll.u32 s6, $0x1;
	s3 =	sadd.s32 s4, s19  }
0x9c: {  	s7 =	simm.s32 $0x0;
	s20 =	sshll.u32 s5, $0x1;
	s5 =	sadd.s32 s21, s3  }
0x9d: {  	[timem:s7], [sflag:s22] =	dma.local [hbm:s5], s20  }
0x9e: {  	_ =	swait.ge [sflag:s22], s20  }
0x9f: {  	s4 =	ssub.s32 $0x0, s20;
	[sflag:s22] =	ssyncset.done $0x0  }
0xa0: {  	[sflag:s22] =	ssyncadd.s32 s4;
	_ =	sdelay $0x1  }
0xa1: {  	s23 =	simm.s32 $0x1B8B  }
0xa2: {  	_ =	swait.ge [sflag:s23], $0x1  }
0xa3: {  	[sflag:s23] =	ssyncset.done $0x0  }
0xa4: {  	s25 =	simm.s32 $0x1B8E;
	s24 =	sld [smem:$0x3FFE];
	[sflag:s23] =	ssyncadd.s32 $0xFFFFFFFF  }
0xa5: {  	s26 =	simm.s32 $execute0_lowered;
	[smem:$0x3FD2] =	sst s25  }
0xa6: {  	s5 =	sshll.u32 s26, $0x1;
	_ =	strace $0x80000046;
	[dreg:$0x1] =	wrdreg $0xFFFFFFFF  }
0xa7: {  	s28 =	simm.s32 $_size_execute0_lowered;
	s3 =	sadd.s32 s3, s5;
	[dreg:$0x0] =	wrdreg $0x0  }
0xa8: {  	s5 =	sshll.u32 s28, $0x1;
	[dreg:$0x2] =	wrdreg s3  }
0xa9: {  	[dreg:$0x3] =	wrdreg s5  }
0xaa: {  	[dreg:$0x4] =	wrdreg $0xC0  }
0xab: {  	_ =	task [dreg:s7], $0x5FFFF  }
0xac: {  	[dreg:$0x1] =	wrdreg $0xFFFFFFFF  }
0xad: {  	[dreg:$0x0] =	wrdreg $0x60  }
0xae: {  	[dreg:$0x2] =	wrdreg s24  }
0xaf: {  	[dreg:$0x3] =	wrdreg s2  }
0xb0: {  	[dreg:$0x4] =	wrdreg $0x9  }
0xb1: {  	_ =	task.clear_ibuf [dreg:s7], $0x5FFFF;
	_ =	strace $0x90000046  }
0xb2: {  	s29 =	simm.s32 $0x9;
	_ =	strace $0x80000048  }
0xb3: {  	_ =	swait.ge [sflag:s29], $0x1  }
0xb4: {  	[sflag:s29] =	ssyncadd.s32 $0xFFFFFFFF  }
0xb5: {  	_ =	strace $0x90000048  }
0xb6: {  	_ =	sfence  }
0xb7: {  	s30 =	sld [smem:$0x0];
	_ =	sdelay $0x2  }
0xb8: {  	s31 =	sshll.u32 s1, $0xD;
	s1 =	sshrl.u32 s1, $0x2  }
0xb9: {  	s3 =	sand.u32 $0x4000, s31;
	s1 =	sadd.s32 s1, s30  }
0xba: {  	s0 =	sor.u32 s3, s0;
	s1 =	sshll.u32 s1, $0x11  }
0xbb: {  	s0 =	sor.u32 s1, s0  }
0xbc: {  	s0 =	sadd.s32 $0x8F2B, s0  }
0xbd: {  	[sflag:s0] =	ssyncadd.remote.s32 $0x1  }
0xbe: {  	_ =	sfence.sel $0xFFFF  }
0xbf: {  	[dreg:$0x0] =	wrdreg $0xFFFFFFFF;
	(pc) =	sbr.abs _section_cstart, $3  }
0xc0: {  	[dreg:$0x1] =	wrdreg $0xFFFFFFFF  }
0xc1: {  	_ =	task.clear_ibuf [dreg:s7], $0x2FFFF;
	_ =	strace $0x9FFFFFFF  }
0xc2: {  	(tm) =	ssettm $0x7FFFFFFF  }
0xc3: {  	_ =	shalt  }
tec
execute0_lowered:
.L_overlay_start_1:
0x0: {  	(tag) =	ssettag $0x1  }
0x1: {  	s1 =	rddreg [dreg:$0x0]  }
0x2: {  	s2 =	rddreg [dreg:$0x1];
	s3 =	simm.s32 $0x0  }
0x3: {  	s20 =	simm.s32 $0x1480;
	[smem:$0x7FF] =	sst s3  }
0x4: {  	s21 =	simm.s32 $0x100;
	_ =	strace $0x80000047;
	[dreg:$0x4] =	wrdreg s20  }
0x5: {  	s22 =	simm.s32 $0x1C80;
	[dreg:$0x5] =	wrdreg s21  }
0x6: {  	s23 =	simm.s32 $0x180;
	[dreg:$0x6] =	wrdreg s22  }
0x7: {  	s24 =	simm.s32 $0x2480;
	[dreg:$0x7] =	wrdreg s23  }
0x8: {  	s25 =	simm.s32 $0x200;
	[dreg:$0x8] =	wrdreg s24  }
0x9: {  	s26 =	simm.s32 $0x2C80;
	[dreg:$0x9] =	wrdreg s25  }
0xa: {  	s31 =	simm.s32 $0x280;
	[dreg:$0xa] =	wrdreg s26  }
0xb: {  	s6 =	stileid.u32;
	s7 =	simm.s32 $0x300;
	[dreg:$0xb] =	wrdreg s31  }
0xc: {  	s0 =	srdreg.scid;
	s8 =	simm.s32 $0x3C80;
	[dreg:$0xd] =	wrdreg s7  }
0xd: {  	s9 =	simm.s32 $0x380;
	s10 =	simm.s32 $0x4480;
	[dreg:$0xe] =	wrdreg s8  }
0xe: {  	s11 =	simm.s32 $0x400;
	s12 =	simm.s32 $0x4C80;
	[dreg:$0xf] =	wrdreg s9  }
0xf: {  	s14 =	simm.s32 $0x480;
	s15 =	simm.s32 $0x5480;
	[dreg:$0x10] =	wrdreg s10  }
0x10: {  	s16 =	simm.s32 $0x500;
	s18 =	simm.s32 $0x5C80;
	[dreg:$0x11] =	wrdreg s11  }
0x11: {  	s28 =	simm.s32 $0xC00;
	s29 =	simm.s32 $0xCC80;
	[dreg:$0x12] =	wrdreg s12  }
0x12: {  	s30 =	simm.s32 $0x1;
	s4 =	smul.u32 $0x6400, s6;
	[dreg:$0x13] =	wrdreg s14  }
0x13: {  	s0 =	sand.u32 $0x1, s0;
	s13 =	smul.u32 $0x64000, s6;
	[dreg:$0x14] =	wrdreg s15  }
0x14: {  	s6 =	simm.s32 $0x2;
	s5 =	smul.u32 $0x3200, s0;
	[dreg:$0x15] =	wrdreg s16  }
0x15: {  	s17 =	ssub.s32 $0x2, s0;
	[dreg:$0x16] =	wrdreg s18;
	s20 =	simm.s32 $0x580  }
0x16: {  	s21 =	simm.s32 $0x6480;
	s0 =	smul.u32 $0x32000, s0;
	s22 =	simm.s32 $0x600  }
0x17: {  	s23 =	simm.s32 $0x6C80;
	s24 =	simm.s32 $0x680;
	s25 =	simm.s32 $0x7480  }
0x18: {  	s26 =	simm.s32 $0x700;
	s7 =	simm.s32 $0x80;
	[dreg:$0x17] =	wrdreg s20  }
0x19: {  	s31 =	simm.s32 $0x7C80;
	s8 =	simm.s32 $0xC80;
	[dreg:$0x18] =	wrdreg s21  }
0x1a: {  	s9 =	simm.s32 $0x780;
	s10 =	simm.s32 $0x8480;
	[dreg:$0x19] =	wrdreg s22  }
0x1b: {  	s11 =	simm.s32 $0x800;
	s12 =	simm.s32 $0x8C80;
	[dreg:$0x1a] =	wrdreg s23  }
0x1c: {  	s14 =	simm.s32 $0x9480;
	s15 =	simm.s32 $0x900;
	[dreg:$0x1b] =	wrdreg s24  }
0x1d: {  	s16 =	simm.s32 $0x9C80;
	s18 =	simm.s32 $0xA480;
	[dreg:$0x1c] =	wrdreg s25  }
0x1e: {  	s4 =	sadd.s32 s4, s1;
	s1 =	sadd.s32 s13, s1;
	[dreg:$0x1d] =	wrdreg s26  }
0x1f: {  	s19 =	sshrl.u32 s17, $0x1;
	[dreg:$0x1e] =	wrdreg s31;
	s13 =	simm.s32 $0x880  }
0x20: {  	s20 =	simm.s32 $0xAC80;
	s21 =	simm.s32 $0xA80;
	s22 =	simm.s32 $0xB480  }
0x21: {  	s23 =	simm.s32 $0xB00;
	s24 =	simm.s32 $0xBC80;
	s25 =	simm.s32 $0xB80  }
0x22: {  	s26 =	simm.s32 $0xC480;
	s4 =	sadd.s32 s5, s4;
	s5 =	simm.s32 $0x3480  }
0x23: {  	s0 =	sadd.s32 s0, s1;
	s4 =	sadd.s32 $0x600, s4;
	[dreg:$0xc] =	wrdreg s5  }
0x24: {  	s5 =	ssub.s32 s17, s19;
	s0 =	sadd.s32 $0x64600, s0;
	[dreg:$0x3] =	wrdreg s4  }
0x25: {  	s1 =	simm.s32 $0x0;
	s5 =	smax.u32 s5, $0x1;
	[smem:$0x7FD] =	sst s0  }
0x26: {  	s17 =	simm.s32 $0x980;
	s19 =	simm.s32 $0xA00;
	[dreg:$0x1f] =	wrdreg s5  }
.LBB2_1:
0x27: {  	s0 =	rddreg [dreg:$0x3]  }
0x28: {  	[smem:$0x7FC] =	sst s1;
	s0 =	sadd.s32 $0x0, s0  }
0x29: {  	[tilespmem:s3], [sflag:$0x2] =	stream.linear.gather [hbm4b:s0+s3], $0xC80, $0x38;
	[tilespmem:$0xD480] =	vst v63  }
0x2a: {  	_ =	swait.ge [sflag:s6], $0xC80  }
0x2b: {  	s0 =	rddreg [dreg:$0x5]  }
0x2c: {  	s31 =	rddreg [dreg:$0x4]  }
0x2d: {  	[sflag:s6] =	ssyncset.done $0x0;
	s4 =	rddreg [dreg:$0x6]  }
0x2e: {  	s5 =	rddreg [dreg:$0x8];
	[sflag:s6] =	ssyncadd.s32 $0xFFFFF380  }
0x2f: {  	[tilespmem:s8], [sflag:$0x1] =	stream.indirect.gather [hbm4b:s2+s7], $0x10, s3, s7, $0xb8;
	[tilespmem:$0xD480] =	vst v63  }
0x30: {  	s1 =	rddreg [dreg:$0x7]  }
0x31: {  	[tilespmem:s31], [sflag:$0x1] =	stream.indirect.gather [hbm4b:s2+s7], $0x10, s7, s7, $0xb8;
	[tilespmem:$0xD480] =	vst v63  }
0x32: {  	s31 =	rddreg [dreg:$0x9]  }
0x33: {  	[tilespmem:s4], [sflag:$0x1] =	stream.indirect.gather [hbm4b:s2+s7], $0x10, s0, s7, $0xb8;
	[tilespmem:$0xD480] =	vst v63  }
0x34: {  	s4 =	rddreg [dreg:$0xa]  }
0x35: {  	[tilespmem:s5], [sflag:$0x1] =	stream.indirect.gather [hbm4b:s2+s7], $0x10, s1, s7, $0xb8;
	[tilespmem:$0xD480] =	vst v63  }
0x36: {  	s1 =	rddreg [dreg:$0xc]  }
0x37: {  	s5 =	rddreg [dreg:$0xb]  }
0x38: {  	[tilespmem:s4], [sflag:$0x1] =	stream.indirect.gather [hbm4b:s2+s7], $0x10, s31, s7, $0xb8;
	[tilespmem:$0xD480] =	vst v63  }
0x39: {  	s4 =	rddreg [dreg:$0xe]  }
0x3a: {  	s31 =	rddreg [dreg:$0xd]  }
0x3b: {  	[tilespmem:s1], [sflag:$0x1] =	stream.indirect.gather [hbm4b:s2+s7], $0x10, s5, s7, $0xb8;
	[tilespmem:$0xD480] =	vst v63  }
0x3c: {  	s1 =	rddreg [dreg:$0x10]  }
0x3d: {  	s5 =	rddreg [dreg:$0xf]  }
0x3e: {  	[tilespmem:s4], [sflag:$0x1] =	stream.indirect.gather [hbm4b:s2+s7], $0x10, s31, s7, $0xb8;
	[tilespmem:$0xD480] =	vst v63  }
0x3f: {  	s4 =	rddreg [dreg:$0x12]  }
0x40: {  	s31 =	rddreg [dreg:$0x11]  }
0x41: {  	[tilespmem:s1], [sflag:$0x1] =	stream.indirect.gather [hbm4b:s2+s7], $0x10, s5, s7, $0xb8;
	[tilespmem:$0xD480] =	vst v63  }
0x42: {  	s1 =	rddreg [dreg:$0x14]  }
0x43: {  	s5 =	rddreg [dreg:$0x13]  }
0x44: {  	[tilespmem:s4], [sflag:$0x1] =	stream.indirect.gather [hbm4b:s2+s7], $0x10, s31, s7, $0xb8;
	[tilespmem:$0xD480] =	vst v63  }
0x45: {  	s4 =	rddreg [dreg:$0x16]  }
0x46: {  	s31 =	rddreg [dreg:$0x15]  }
0x47: {  	[tilespmem:s1], [sflag:$0x1] =	stream.indirect.gather [hbm4b:s2+s7], $0x10, s5, s7, $0xb8;
	[tilespmem:$0xD480] =	vst v63  }
0x48: {  	s1 =	rddreg [dreg:$0x18]  }
0x49: {  	s5 =	rddreg [dreg:$0x17]  }
0x4a: {  	[tilespmem:s4], [sflag:$0x1] =	stream.indirect.gather [hbm4b:s2+s7], $0x10, s31, s7, $0xb8;
	[tilespmem:$0xD480] =	vst v63  }
0x4b: {  	s4 =	rddreg [dreg:$0x1a]  }
0x4c: {  	s31 =	rddreg [dreg:$0x19]  }
0x4d: {  	[tilespmem:s1], [sflag:$0x1] =	stream.indirect.gather [hbm4b:s2+s7], $0x10, s5, s7, $0xb8;
	[tilespmem:$0xD480] =	vst v63  }
0x4e: {  	s1 =	rddreg [dreg:$0x1c]  }
0x4f: {  	s5 =	rddreg [dreg:$0x1b]  }
0x50: {  	[tilespmem:s4], [sflag:$0x1] =	stream.indirect.gather [hbm4b:s2+s7], $0x10, s31, s7, $0xb8;
	[tilespmem:$0xD480] =	vst v63  }
0x51: {  	s4 =	rddreg [dreg:$0x1e]  }
0x52: {  	[tilespmem:s1], [sflag:$0x1] =	stream.indirect.gather [hbm4b:s2+s7], $0x10, s5, s7, $0xb8;
	[tilespmem:$0xD480] =	vst v63  }
0x53: {  	s31 =	rddreg [dreg:$0x1d]  }
0x54: {  	[tilespmem:s4], [sflag:$0x1] =	stream.indirect.gather [hbm4b:s2+s7], $0x10, s31, s7, $0xb8;
	[tilespmem:$0xD480] =	vst v63  }
0x55: {  	_ = 	snop  }
0x56: {  	[tilespmem:s10], [sflag:$0x1] =	stream.indirect.gather [hbm4b:s2+s7], $0x10, s9, s7, $0xb8;
	[tilespmem:$0xD480] =	vst v63  }
0x57: {  	_ = 	snop  }
0x58: {  	[tilespmem:s12], [sflag:$0x1] =	stream.indirect.gather [hbm4b:s2+s7], $0x10, s11, s7, $0xb8;
	[tilespmem:$0xD480] =	vst v63  }
0x59: {  	_ = 	snop  }
0x5a: {  	[tilespmem:s14], [sflag:$0x1] =	stream.indirect.gather [hbm4b:s2+s7], $0x10, s13, s7, $0xb8;
	[tilespmem:$0xD480] =	vst v63  }
0x5b: {  	_ = 	snop  }
0x5c: {  	[tilespmem:s16], [sflag:$0x1] =	stream.indirect.gather [hbm4b:s2+s7], $0x10, s15, s7, $0xb8;
	[tilespmem:$0xD480] =	vst v63  }
0x5d: {  	_ = 	snop  }
0x5e: {  	[tilespmem:s18], [sflag:$0x1] =	stream.indirect.gather [hbm4b:s2+s7], $0x10, s17, s7, $0xb8;
	[tilespmem:$0xD480] =	vst v63  }
0x5f: {  	_ = 	snop  }
0x60: {  	[tilespmem:s20], [sflag:$0x1] =	stream.indirect.gather [hbm4b:s2+s7], $0x10, s19, s7, $0xb8;
	[tilespmem:$0xD480] =	vst v63  }
0x61: {  	_ = 	snop  }
0x62: {  	[tilespmem:s22], [sflag:$0x1] =	stream.indirect.gather [hbm4b:s2+s7], $0x10, s21, s7, $0xb8;
	[tilespmem:$0xD480] =	vst v63  }
0x63: {  	_ = 	snop  }
0x64: {  	[tilespmem:s24], [sflag:$0x1] =	stream.indirect.gather [hbm4b:s2+s7], $0x10, s23, s7, $0xb8;
	[tilespmem:$0xD480] =	vst v63  }
0x65: {  	_ = 	snop  }
0x66: {  	[tilespmem:s26], [sflag:$0x1] =	stream.indirect.gather [hbm4b:s2+s7], $0x10, s25, s7, $0xb8;
	[tilespmem:$0xD480] =	vst v63  }
0x67: {  	_ = 	snop  }
0x68: {  	[tilespmem:s29], [sflag:$0x1] =	stream.indirect.gather [hbm4b:s2+s7], $0x10, s28, s7, $0xb8;
	[tilespmem:$0xD480] =	vst v63  }
0x69: {  	_ =	swait.ge [sflag:s30], $0x800  }
0x6a: {  	[sflag:s30] =	ssyncset.done $0x0  }
0x6b: {  	[sflag:s30] =	ssyncadd.s32 $0xFFFFF800  }
0x6c: {  	_ =	swait.ge [sflag:s30], $0x800  }
0x6d: {  	[sflag:s30] =	ssyncset.done $0x0  }
0x6e: {  	[sflag:s30] =	ssyncadd.s32 $0xFFFFF800  }
0x6f: {  	_ =	swait.ge [sflag:s30], $0x800  }
0x70: {  	[sflag:s30] =	ssyncset.done $0x0  }
0x71: {  	[sflag:s30] =	ssyncadd.s32 $0xFFFFF800  }
0x72: {  	_ =	swait.ge [sflag:s30], $0x800  }
0x73: {  	[sflag:s30] =	ssyncset.done $0x0  }
0x74: {  	[sflag:s30] =	ssyncadd.s32 $0xFFFFF800  }
0x75: {  	_ =	swait.ge [sflag:s30], $0x800  }
0x76: {  	[sflag:s30] =	ssyncset.done $0x0  }
0x77: {  	[sflag:s30] =	ssyncadd.s32 $0xFFFFF800  }
0x78: {  	_ =	swait.ge [sflag:s30], $0x800  }
0x79: {  	[sflag:s30] =	ssyncset.done $0x0  }
0x7a: {  	[sflag:s30] =	ssyncadd.s32 $0xFFFFF800  }
0x7b: {  	_ =	swait.ge [sflag:s30], $0x800  }
0x7c: {  	[sflag:s30] =	ssyncset.done $0x0  }
0x7d: {  	[sflag:s30] =	ssyncadd.s32 $0xFFFFF800  }
0x7e: {  	_ =	swait.ge [sflag:s30], $0x800  }
0x7f: {  	[sflag:s30] =	ssyncset.done $0x0  }
0x80: {  	[sflag:s30] =	ssyncadd.s32 $0xFFFFF800  }
0x81: {  	_ =	swait.ge [sflag:s30], $0x800  }
0x82: {  	[sflag:s30] =	ssyncset.done $0x0  }
0x83: {  	[sflag:s30] =	ssyncadd.s32 $0xFFFFF800  }
0x84: {  	_ =	swait.ge [sflag:s30], $0x800  }
0x85: {  	[sflag:s30] =	ssyncset.done $0x0  }
0x86: {  	[sflag:s30] =	ssyncadd.s32 $0xFFFFF800  }
0x87: {  	_ =	swait.ge [sflag:s30], $0x800  }
0x88: {  	[sflag:s30] =	ssyncset.done $0x0  }
0x89: {  	[sflag:s30] =	ssyncadd.s32 $0xFFFFF800  }
0x8a: {  	_ =	swait.ge [sflag:s30], $0x800  }
0x8b: {  	[sflag:s30] =	ssyncset.done $0x0  }
0x8c: {  	[sflag:s30] =	ssyncadd.s32 $0xFFFFF800  }
0x8d: {  	_ =	swait.ge [sflag:s30], $0x800  }
0x8e: {  	[sflag:s30] =	ssyncset.done $0x0  }
0x8f: {  	[sflag:s30] =	ssyncadd.s32 $0xFFFFF800  }
0x90: {  	_ =	swait.ge [sflag:s30], $0x800  }
0x91: {  	[sflag:s30] =	ssyncset.done $0x0  }
0x92: {  	[sflag:s30] =	ssyncadd.s32 $0xFFFFF800  }
0x93: {  	_ =	swait.ge [sflag:s30], $0x800  }
0x94: {  	[sflag:s30] =	ssyncset.done $0x0  }
0x95: {  	[sflag:s30] =	ssyncadd.s32 $0xFFFFF800  }
0x96: {  	_ =	swait.ge [sflag:s30], $0x800  }
0x97: {  	[sflag:s30] =	ssyncset.done $0x0  }
0x98: {  	[sflag:s30] =	ssyncadd.s32 $0xFFFFF800  }
0x99: {  	_ =	swait.ge [sflag:s30], $0x800  }
0x9a: {  	[sflag:s30] =	ssyncset.done $0x0  }
0x9b: {  	[sflag:s30] =	ssyncadd.s32 $0xFFFFF800  }
0x9c: {  	_ =	swait.ge [sflag:s30], $0x800  }
0x9d: {  	[sflag:s30] =	ssyncset.done $0x0  }
0x9e: {  	[sflag:s30] =	ssyncadd.s32 $0xFFFFF800  }
0x9f: {  	_ =	swait.ge [sflag:s30], $0x800  }
0xa0: {  	[sflag:s30] =	ssyncset.done $0x0  }
0xa1: {  	[sflag:s30] =	ssyncadd.s32 $0xFFFFF800  }
0xa2: {  	_ =	swait.ge [sflag:s30], $0x800  }
0xa3: {  	[sflag:s30] =	ssyncset.done $0x0  }
0xa4: {  	[sflag:s30] =	ssyncadd.s32 $0xFFFFF800  }
0xa5: {  	_ =	swait.ge [sflag:s30], $0x800  }
0xa6: {  	[sflag:s30] =	ssyncset.done $0x0  }
0xa7: {  	[sflag:s30] =	ssyncadd.s32 $0xFFFFF800  }
0xa8: {  	_ =	swait.ge [sflag:s30], $0x800  }
0xa9: {  	s5 =	sld [smem:$0x7FD];
	_ =	sdelay $0x1  }
0xaa: {  	[sflag:s30] =	ssyncset.done $0x0  }
0xab: {  	s0 =	simm.s32 $0x190;
	[sflag:s30] =	ssyncadd.s32 $0xFFFFF800;
	s1 =	smov.u32 s5  }
.LBB2_2:
0xac: {  	_ =	swait.ge [sflag:s30], $0x800  }
0xad: {  	[sflag:s30] =	ssyncset.done $0x0  }
0xae: {  	[sflag:s30] =	ssyncadd.s32 $0xFFFFF800  }
0xaf: {  	_ =	swait.ge [sflag:s30], $0x800  }
0xb0: {  	[sflag:s30] =	ssyncset.done $0x0  }
0xb1: {  	[sflag:s30] =	ssyncadd.s32 $0xFFFFF800  }
0xb2: {  	_ =	swait.ge [sflag:s30], $0x800  }
0xb3: {  	[sflag:s30] =	ssyncset.done $0x0  }
0xb4: {  	[sflag:s30] =	ssyncadd.s32 $0xFFFFF800  }
0xb5: {  	[hbm4b:s5+s3] =	stream.linear.scatter [tilespmem:s8], [sflag:$0x2], $0xC800, $0x38;
	[tilespmem:$0xD480] =	vst v63  }
0xb6: {  	_ =	swait.ge [sflag:s6], $0xC800  }
0xb7: {  	s4 =	smov.u32 s0;
	s9 =	rddreg [dreg:$0x3];
	[sflag:s6] =	ssyncset.done $0x0  }
0xb8: {  	[sflag:s6] =	ssyncadd.s32 $0xFFFF3800;
	s4 =	sadd.s32 s4, s9  }
0xb9: {  	[tilespmem:s3], [sflag:$0x2] =	stream.linear.gather [hbm4b:s4+s3], $0xC80, $0x38;
	[tilespmem:$0xD480] =	vst v63  }
0xba: {  	_ =	swait.ge [sflag:s6], $0xC80  }
0xbb: {  	s4 =	rddreg [dreg:$0x1e]  }
0xbc: {  	s31 =	rddreg [dreg:$0x1c]  }
0xbd: {  	s9 =	rddreg [dreg:$0x1a]  }
0xbe: {  	s10 =	rddreg [dreg:$0x18]  }
0xbf: {  	s11 =	rddreg [dreg:$0x16]  }
0xc0: {  	s12 =	rddreg [dreg:$0x14]  }
0xc1: {  	s13 =	rddreg [dreg:$0x12]  }
0xc2: {  	s14 =	rddreg [dreg:$0x10]  }
0xc3: {  	s15 =	rddreg [dreg:$0xe]  }
0xc4: {  	s16 =	rddreg [dreg:$0xc]  }
0xc5: {  	s17 =	rddreg [dreg:$0xa]  }
0xc6: {  	[sflag:s6] =	ssyncset.done $0x0;
	s18 =	rddreg [dreg:$0x5]  }
0xc7: {  	s19 =	rddreg [dreg:$0x4];
	[sflag:s6] =	ssyncadd.s32 $0xFFFFF380  }
0xc8: {  	[tilespmem:s8], [sflag:$0x1] =	stream.indirect.gather [hbm4b:s2+s7], $0x10, s3, s7, $0xb8;
	[tilespmem:$0xD480] =	vst v63  }
0xc9: {  	s20 =	rddreg [dreg:$0x6]  }
0xca: {  	[tilespmem:s19], [sflag:$0x1] =	stream.indirect.gather [hbm4b:s2+s7], $0x10, s7, s7, $0xb8;
	[tilespmem:$0xD480] =	vst v63  }
0xcb: {  	s21 =	rddreg [dreg:$0x8]  }
0xcc: {  	[tilespmem:s20], [sflag:$0x1] =	stream.indirect.gather [hbm4b:s2+s7], $0x10, s18, s7, $0xb8;
	[tilespmem:$0xD480] =	vst v63  }
0xcd: {  	s19 =	rddreg [dreg:$0x7]  }
0xce: {  	[tilespmem:s21], [sflag:$0x1] =	stream.indirect.gather [hbm4b:s2+s7], $0x10, s19, s7, $0xb8;
	[tilespmem:$0xD480] =	vst v63  }
0xcf: {  	s18 =	rddreg [dreg:$0x9]  }
0xd0: {  	[tilespmem:s17], [sflag:$0x1] =	stream.indirect.gather [hbm4b:s2+s7], $0x10, s18, s7, $0xb8;
	[tilespmem:$0xD480] =	vst v63  }
0xd1: {  	s19 =	rddreg [dreg:$0xb]  }
0xd2: {  	[tilespmem:s16], [sflag:$0x1] =	stream.indirect.gather [hbm4b:s2+s7], $0x10, s19, s7, $0xb8;
	[tilespmem:$0xD480] =	vst v63  }
0xd3: {  	s17 =	rddreg [dreg:$0xd]  }
0xd4: {  	[tilespmem:s15], [sflag:$0x1] =	stream.indirect.gather [hbm4b:s2+s7], $0x10, s17, s7, $0xb8;
	[tilespmem:$0xD480] =	vst v63  }
0xd5: {  	s16 =	rddreg [dreg:$0xf]  }
0xd6: {  	[tilespmem:s14], [sflag:$0x1] =	stream.indirect.gather [hbm4b:s2+s7], $0x10, s16, s7, $0xb8;
	[tilespmem:$0xD480] =	vst v63  }
0xd7: {  	s15 =	rddreg [dreg:$0x11]  }
0xd8: {  	[tilespmem:s13], [sflag:$0x1] =	stream.indirect.gather [hbm4b:s2+s7], $0x10, s15, s7, $0xb8;
	[tilespmem:$0xD480] =	vst v63  }
0xd9: {  	s14 =	rddreg [dreg:$0x13]  }
0xda: {  	[tilespmem:s12], [sflag:$0x1] =	stream.indirect.gather [hbm4b:s2+s7], $0x10, s14, s7, $0xb8;
	[tilespmem:$0xD480] =	vst v63  }
0xdb: {  	s13 =	rddreg [dreg:$0x15]  }
0xdc: {  	[tilespmem:s11], [sflag:$0x1] =	stream.indirect.gather [hbm4b:s2+s7], $0x10, s13, s7, $0xb8;
	[tilespmem:$0xD480] =	vst v63  }
0xdd: {  	s12 =	rddreg [dreg:$0x17]  }
0xde: {  	[tilespmem:s10], [sflag:$0x1] =	stream.indirect.gather [hbm4b:s2+s7], $0x10, s12, s7, $0xb8;
	[tilespmem:$0xD480] =	vst v63  }
0xdf: {  	s11 =	rddreg [dreg:$0x19]  }
0xe0: {  	[tilespmem:s9], [sflag:$0x1] =	stream.indirect.gather [hbm4b:s2+s7], $0x10, s11, s7, $0xb8;
	[tilespmem:$0xD480] =	vst v63  }
0xe1: {  	s10 =	rddreg [dreg:$0x1b]  }
0xe2: {  	[tilespmem:s31], [sflag:$0x1] =	stream.indirect.gather [hbm4b:s2+s7], $0x10, s10, s7, $0xb8;
	[tilespmem:$0xD480] =	vst v63  }
0xe3: {  	s9 =	rddreg [dreg:$0x1d]  }
0xe4: {  	[tilespmem:s4], [sflag:$0x1] =	stream.indirect.gather [hbm4b:s2+s7], $0x10, s9, s7, $0xb8;
	[tilespmem:$0xD480] =	vst v63  }
0xe5: {  	s10 =	simm.s32 $0x8480;
	s9 =	simm.s32 $0x780  }
0xe6: {  	[tilespmem:s10], [sflag:$0x1] =	stream.indirect.gather [hbm4b:s2+s7], $0x10, s9, s7, $0xb8;
	[tilespmem:$0xD480] =	vst v63  }
0xe7: {  	s12 =	simm.s32 $0x8C80;
	s11 =	simm.s32 $0x800  }
0xe8: {  	[tilespmem:s12], [sflag:$0x1] =	stream.indirect.gather [hbm4b:s2+s7], $0x10, s11, s7, $0xb8;
	[tilespmem:$0xD480] =	vst v63  }
0xe9: {  	s14 =	simm.s32 $0x9480;
	s13 =	simm.s32 $0x880  }
0xea: {  	[tilespmem:s14], [sflag:$0x1] =	stream.indirect.gather [hbm4b:s2+s7], $0x10, s13, s7, $0xb8;
	[tilespmem:$0xD480] =	vst v63  }
0xeb: {  	s16 =	simm.s32 $0x9C80;
	s15 =	simm.s32 $0x900  }
0xec: {  	[tilespmem:s16], [sflag:$0x1] =	stream.indirect.gather [hbm4b:s2+s7], $0x10, s15, s7, $0xb8;
	[tilespmem:$0xD480] =	vst v63  }
0xed: {  	s18 =	simm.s32 $0xA480;
	s17 =	simm.s32 $0x980  }
0xee: {  	[tilespmem:s18], [sflag:$0x1] =	stream.indirect.gather [hbm4b:s2+s7], $0x10, s17, s7, $0xb8;
	[tilespmem:$0xD480] =	vst v63  }
0xef: {  	s20 =	simm.s32 $0xAC80;
	s19 =	simm.s32 $0xA00  }
0xf0: {  	[tilespmem:s20], [sflag:$0x1] =	stream.indirect.gather [hbm4b:s2+s7], $0x10, s19, s7, $0xb8;
	[tilespmem:$0xD480] =	vst v63  }
0xf1: {  	s21 =	simm.s32 $0xA80  }
0xf2: {  	[tilespmem:s22], [sflag:$0x1] =	stream.indirect.gather [hbm4b:s2+s7], $0x10, s21, s7, $0xb8;
	[tilespmem:$0xD480] =	vst v63  }
0xf3: {  	_ = 	snop  }
0xf4: {  	[tilespmem:s24], [sflag:$0x1] =	stream.indirect.gather [hbm4b:s2+s7], $0x10, s23, s7, $0xb8;
	[tilespmem:$0xD480] =	vst v63  }
0xf5: {  	_ = 	snop  }
0xf6: {  	[tilespmem:s26], [sflag:$0x1] =	stream.indirect.gather [hbm4b:s2+s7], $0x10, s25, s7, $0xb8;
	[tilespmem:$0xD480] =	vst v63  }
0xf7: {  	_ = 	snop  }
0xf8: {  	[tilespmem:s29], [sflag:$0x1] =	stream.indirect.gather [hbm4b:s2+s7], $0x10, s28, s7, $0xb8;
	[tilespmem:$0xD480] =	vst v63  }
0xf9: {  	_ =	swait.ge [sflag:s30], $0x800  }
0xfa: {  	[sflag:s30] =	ssyncset.done $0x0  }
0xfb: {  	[sflag:s30] =	ssyncadd.s32 $0xFFFFF800  }
0xfc: {  	_ =	swait.ge [sflag:s30], $0x800  }
0xfd: {  	[sflag:s30] =	ssyncset.done $0x0  }
0xfe: {  	[sflag:s30] =	ssyncadd.s32 $0xFFFFF800  }
0xff: {  	_ =	swait.ge [sflag:s30], $0x800  }
0x100: {  	[sflag:s30] =	ssyncset.done $0x0  }
0x101: {  	[sflag:s30] =	ssyncadd.s32 $0xFFFFF800  }
0x102: {  	_ =	swait.ge [sflag:s30], $0x800  }
0x103: {  	[sflag:s30] =	ssyncset.done $0x0  }
0x104: {  	[sflag:s30] =	ssyncadd.s32 $0xFFFFF800  }
0x105: {  	_ =	swait.ge [sflag:s30], $0x800  }
0x106: {  	[sflag:s30] =	ssyncset.done $0x0  }
0x107: {  	[sflag:s30] =	ssyncadd.s32 $0xFFFFF800  }
0x108: {  	_ =	swait.ge [sflag:s30], $0x800  }
0x109: {  	[sflag:s30] =	ssyncset.done $0x0  }
0x10a: {  	[sflag:s30] =	ssyncadd.s32 $0xFFFFF800  }
0x10b: {  	_ =	swait.ge [sflag:s30], $0x800  }
0x10c: {  	[sflag:s30] =	ssyncset.done $0x0  }
0x10d: {  	[sflag:s30] =	ssyncadd.s32 $0xFFFFF800  }
0x10e: {  	_ =	swait.ge [sflag:s30], $0x800  }
0x10f: {  	[sflag:s30] =	ssyncset.done $0x0  }
0x110: {  	[sflag:s30] =	ssyncadd.s32 $0xFFFFF800  }
0x111: {  	_ =	swait.ge [sflag:s30], $0x800  }
0x112: {  	[sflag:s30] =	ssyncset.done $0x0  }
0x113: {  	[sflag:s30] =	ssyncadd.s32 $0xFFFFF800  }
0x114: {  	_ =	swait.ge [sflag:s30], $0x800  }
0x115: {  	[sflag:s30] =	ssyncset.done $0x0  }
0x116: {  	[sflag:s30] =	ssyncadd.s32 $0xFFFFF800  }
0x117: {  	_ =	swait.ge [sflag:s30], $0x800  }
0x118: {  	[sflag:s30] =	ssyncset.done $0x0  }
0x119: {  	[sflag:s30] =	ssyncadd.s32 $0xFFFFF800  }
0x11a: {  	_ =	swait.ge [sflag:s30], $0x800  }
0x11b: {  	[sflag:s30] =	ssyncset.done $0x0  }
0x11c: {  	[sflag:s30] =	ssyncadd.s32 $0xFFFFF800  }
0x11d: {  	_ =	swait.ge [sflag:s30], $0x800  }
0x11e: {  	[sflag:s30] =	ssyncset.done $0x0  }
0x11f: {  	[sflag:s30] =	ssyncadd.s32 $0xFFFFF800  }
0x120: {  	_ =	swait.ge [sflag:s30], $0x800  }
0x121: {  	[sflag:s30] =	ssyncset.done $0x0  }
0x122: {  	[sflag:s30] =	ssyncadd.s32 $0xFFFFF800  }
0x123: {  	_ =	swait.ge [sflag:s30], $0x800  }
0x124: {  	[sflag:s30] =	ssyncset.done $0x0  }
0x125: {  	[sflag:s30] =	ssyncadd.s32 $0xFFFFF800  }
0x126: {  	_ =	swait.ge [sflag:s30], $0x800  }
0x127: {  	[sflag:s30] =	ssyncset.done $0x0  }
0x128: {  	[sflag:s30] =	ssyncadd.s32 $0xFFFFF800  }
0x129: {  	_ =	swait.ge [sflag:s30], $0x800  }
0x12a: {  	[sflag:s30] =	ssyncset.done $0x0  }
0x12b: {  	[sflag:s30] =	ssyncadd.s32 $0xFFFFF800  }
0x12c: {  	_ =	swait.ge [sflag:s30], $0x800  }
0x12d: {  	[sflag:s30] =	ssyncset.done $0x0  }
0x12e: {  	[sflag:s30] =	ssyncadd.s32 $0xFFFFF800  }
0x12f: {  	_ =	swait.ge [sflag:s30], $0x800  }
0x130: {  	[sflag:s30] =	ssyncset.done $0x0  }
0x131: {  	[sflag:s30] =	ssyncadd.s32 $0xFFFFF800  }
0x132: {  	_ =	swait.ge [sflag:s30], $0x800  }
0x133: {  	[sflag:s30] =	ssyncset.done $0x0  }
0x134: {  	[sflag:s30] =	ssyncadd.s32 $0xFFFFF800  }
0x135: {  	p0 =	sne.s32 s0, $0x3070;
	_ =	swait.ge [sflag:s30], $0x800  }
.Ltmp0:
0x136: {  	[sflag:s30] =	ssyncset.done $0x0;
	(pc) =	sbr.rel @p0 .LBB2_2-.Ltmp0, $4  }
0x137: {  	[sflag:s30] =	ssyncadd.s32 $0xFFFFF800  }
0x138: {  	_ =	swait.ge [sflag:s30], $0x800  }
0x139: {  	s1 =	sadd.s32 $0x1900, s1;
	[sflag:s30] =	ssyncset.done $0x0  }
0x13a: {  	s0 =	sadd.s32 $0x190, s0;
	s5 =	smov.u32 s1;
	[sflag:s30] =	ssyncadd.s32 $0xFFFFF800  }
0x13b: {  	_ =	swait.ge [sflag:s30], $0x800  }
0x13c: {  	[sflag:s30] =	ssyncset.done $0x0  }
0x13d: {  	[sflag:s30] =	ssyncadd.s32 $0xFFFFF800  }
0x13e: {  	_ =	swait.ge [sflag:s30], $0x800  }
0x13f: {  	[sflag:s30] =	ssyncset.done $0x0  }
0x140: {  	[sflag:s30] =	ssyncadd.s32 $0xFFFFF800  }
0x141: {  	_ =	swait.ge [sflag:s30], $0x800  }
0x142: {  	[sflag:s30] =	ssyncset.done $0x0  }
0x143: {  	[sflag:s30] =	ssyncadd.s32 $0xFFFFF800  }
0x144: {  	[hbm4b:s5+s3] =	stream.linear.scatter [tilespmem:s8], [sflag:$0x2], $0xC800, $0x38;
	[tilespmem:$0xD480] =	vst v63  }
0x145: {  	_ =	swait.ge [sflag:s6], $0xC800  }
0x146: {  	s1 =	sld [smem:$0x7FC];
	_ =	sdelay $0x2  }
0x147: {  	s0 =	rddreg [dreg:$0x1f];
	s1 =	sadd.s32 $0x1, s1  }
0x148: {  	p0 =	sne.s32 s1, s0  }
.Ltmp1:
0x149: {  	_ = 	snop;
	(pc) =	sbr.rel @p0 .LBB2_1-.Ltmp1, $3  }
0x14a: {  	_ =	sdelay $0x1  }
0x14b: {  	[sflag:s6] =	ssyncset.done $0x0  }
0x14c: {  	[sflag:s6] =	ssyncadd.s32 $0xFFFF3800  }
0x14d: {  	_ =	sfence.sel $0x180000  }
0x14e: {  	[bflag:$0x0] =	sbarrier.arrive $0xFFFF  }
0x14f: {  	_ =	strace $0x90000047  }
0x150: {  	s0 =	stileid.u32;
	[bflag:$0x2] =	sbarrier.arrive $0xFFFF  }
0x151: {  	p0 =	sne.s32 s0, $0x0;
	s0 =	rddreg [dreg:$0x2]  }
0x152: {  	s0 =	sadd.s32 @!p0 $0x100000, s0  }
0x153: {  	[sflag:s0] =	ssyncadd.tile.s32 @!p0 $0x1;
	_ =	shalt  }
.Lfunc_end2:
_tile_overlayer_lowered:
.L_overlay_start_2:
0x154: {  	(tag) =	ssettag $0x2  }
0x155: {  	s0 =	rddreg [dreg:$0x0];
	s2 =	stileid.u32  }
0x156: {  	s1 =	rddreg [dreg:$0x1];
	p0 =	sne.s32 s2, $0x0  }
0x157: {  	s3 =	rddreg [dreg:$0x2];
	[bflag:$0x3] =	sbarrier.arrive $0xFFFF;
	s2 =	simm.s32 @!p0 $0x1C02  }
0x158: {  	[timem:s3], [sflag:s2] =	dma.local @!p0 [hbm:s0], s1  }
0x159: {  	s0 =	simm.s32 @!p0 $0x2  }
0x15a: {  	_ =	swait.ge @!p0 [sflag:s0], s1  }
0x15b: {  	s1 =	ssub.s32 @!p0 $0x0, s1;
	[sflag:s0] =	ssyncset.done @!p0 $0x0  }
0x15c: {  	[sflag:s0] =	ssyncadd.s32 @!p0 s1  }
0x15d: {  	[bflag:$0x3] =	sbarrier.arrive $0xFFFF  }
0x15e: {  	_ =	shalt  }

</sc_bundles>
